<compile_context>
chip_gen: v7x
topology: tpu7x:2x2x1
jax: 0.10.2.dev20260603
libtpu: 0.0.44.dev20260713+nightly
codegen_flags: <defaults>
</compile_context>

<pallas_src>
import jax
import jax.numpy as jnp
from jax import lax
from jax.experimental import pallas as pl
from jax.experimental.pallas import tpu as pltpu
from jax.experimental.pallas import tpu_sc as plsc

K = 8
S = 4
B, C, T = 8, 768, 4096
R = B * C
NCHUNK = T // S
TP = (T - K) // S + 1
NW = 32
RPW = R // NW
G = 8
NG = RPW // G



def _pool_body(x_hbm, o_hbm, xbuf, obuf, abuf, qbuf, si0, si1, so0, so1):
    cid = lax.axis_index("c")
    sid = lax.axis_index("s")
    wid = sid * 2 + cid
    row0 = wid * RPW
    lane = lax.iota(jnp.int32, 16)
    lane4 = lane * 4
    lane4p1 = lane4 + 1
    lane4p2 = lane4 + 2
    lane4p3 = lane4 + 3
    zero16 = jnp.zeros((16,), jnp.int32)

    def in_copy(g, slot, sem):
        base = row0 + g * G
        return pltpu.make_async_copy(
            x_hbm.at[pl.ds(base, G)],
            xbuf.at[slot],
            sem,
        )

    def out_copy(g, slot, sem):
        base = row0 + g * G
        return pltpu.make_async_copy(
            obuf.at[slot],
            o_hbm.at[pl.ds(base, G)],
            sem,
        )

    def compute_group(slot):
        xslot = xbuf.at[slot]
        svec = zero16 + slot

        def do_row(r, _):
            rvec = zero16 + r

            def pass1(i):
                c0 = 64 * i
                g0 = plsc.load_gather(xslot, [rvec, lane4 + c0])
                g1 = plsc.load_gather(xslot, [rvec, lane4p1 + c0])
                g2 = plsc.load_gather(xslot, [rvec, lane4p2 + c0])
                g3 = plsc.load_gather(xslot, [rvec, lane4p3 + c0])
                abuf[pl.ds(i * 16, 16)] = (g0 + g1) + (g2 + g3)
                qbuf[pl.ds(i * 16, 16)] = (g0 * g0 + g1 * g1) + (
                    g2 * g2 + g3 * g3
                )

            plsc.parallel_loop(0, NCHUNK // 16, unroll=4)(pass1)

            def combine(t):
                a_lo = abuf[pl.ds(t, 16)]
                a_hi = abuf[pl.ds(t + 1, 16)]
                q_lo = qbuf[pl.ds(t, 16)]
                q_hi = qbuf[pl.ds(t + 1, 16)]
                den = a_lo + a_hi
                num = q_lo + q_hi
                return jnp.where(den > 0.0, num / den, 0.0)

            def pass2(i):
                t = i * 16
                plsc.store_scatter(obuf, [svec, rvec, lane + t], combine(t))

            plsc.parallel_loop(0, NCHUNK // 16 - 1, unroll=4)(pass2)
            tl = NCHUNK - 16
            plsc.store_scatter(
                obuf, [svec, rvec, lane + tl], combine(tl), mask=lane < 15
            )
            return 0

        lax.fori_loop(0, G, do_row, 0)

    in_copy(0, 0, si0).start()
    in_copy(1, 1, si1).start()

    def do_pair(j, _):
        g = 2 * j

        in_copy(g, 0, si0).wait()

        @pl.when(j > 0)
        def _():
            out_copy(g - 2, 0, so0).wait()

        compute_group(0)
        out_copy(g, 0, so0).start()

        @pl.when(j < NG // 2 - 1)
        def _():
            in_copy(g + 2, 0, si0).start()

        in_copy(g + 1, 1, si1).wait()

        @pl.when(j > 0)
        def _():
            out_copy(g - 1, 1, so1).wait()

        compute_group(1)
        out_copy(g + 1, 1, so1).start()

        @pl.when(j < NG // 2 - 1)
        def _():
            in_copy(g + 3, 1, si1).start()

        return 0

    lax.fori_loop(0, NG // 2, do_pair, 0)
    out_copy(NG - 2, 0, so0).wait()
    out_copy(NG - 1, 1, so1).wait()


def kernel(input):
    x = input.reshape(R, T)
    mesh = plsc.VectorSubcoreMesh(
        core_axis_name="c", subcore_axis_name="s", num_cores=2, num_subcores=16
    )
    run = pl.kernel(
        _pool_body,
        out_type=jax.ShapeDtypeStruct((R, TP), jnp.float32),
        mesh=mesh,
        compiler_params=pltpu.CompilerParams(
            needs_layout_passes=False, skip_device_barrier=True
        ),
        scratch_types=[
            pltpu.VMEM((2, G, T), jnp.float32),
            pltpu.VMEM((2, G, TP), jnp.float32),
            pltpu.VMEM((NCHUNK + 16,), jnp.float32),
            pltpu.VMEM((NCHUNK + 16,), jnp.float32),
            pltpu.SemaphoreType.DMA,
            pltpu.SemaphoreType.DMA,
            pltpu.SemaphoreType.DMA,
            pltpu.SemaphoreType.DMA,
        ],
    )
    out = run(x)
    return out.reshape(B, C, TP)

# --- scband reference (transcript-rebuilt; emitter-appended) ---
"""Pipeline reference for scband-stochastic-pool1d-74285754351769 (READ-ONLY COPY).

The authoritative reference and input builder live on the scoring server;
editing this copy changes nothing except your own understanding.
"""

import jax, jax.numpy as jnp
import numpy as np

K = 8
S = 4

def setup_inputs(seed: int = 0) -> dict:
    key = jax.random.key(seed)
    # Stochastic pooling requires non-negative inputs -> uniform [0, 1)
    x = jax.random.uniform(key, (8, 768, 4096), dtype=jnp.float32)
    return {"input": x}

def reference(input):
    # Eval-mode (deterministic) path of StochasticPool1d: probability-weighted average.
    B, C, T = input.shape
    Tp = (T - K) // S + 1
    # Gather sliding windows: equivalent of F.unfold over the time axis
    idx = (jnp.arange(Tp) * S)[:, None] + jnp.arange(K)[None, :]  # [Tp, K]
    win = input[:, :, idx]  # [B, C, Tp, K]
    # zero_flg: if the entire input is zero, weights = win + 1 (uniform)
    zero_flg = jnp.all(input == 0).astype(win.dtype)
    weights = win + zero_flg
    weights = weights / jnp.sum(weights, axis=-1, keepdims=True)
    out = jnp.sum(weights * win, axis=-1)  # [B, C, Tp]
    return out

if __name__ == "__main__":
    import jax
    _d = setup_inputs()
    print(jax.jit(kernel)(*tuple(_d.values())))

</pallas_src>

<mosaic_0001>
#map = affine_map<(d0, d1) -> (0, 0)>
module attributes {stable_mosaic.version = 14 : i64} {
  func.func @_pool_body(%arg0: i32, %arg1: i32, %arg2: memref<6144x4096xf32, #tpu.memory_space<hbm>>, %arg3: memref<6144x1023xf32, #tpu.memory_space<hbm>>, %arg4: memref<2x8x4096xf32, #tpu.memory_space<vmem>>, %arg5: memref<2x8x1023xf32, #tpu.memory_space<vmem>>, %arg6: memref<1040xf32, #tpu.memory_space<vmem>>, %arg7: memref<1040xf32, #tpu.memory_space<vmem>>, %arg8: memref<!tpu.dma_semaphore, #tpu.memory_space<semaphore_mem>>, %arg9: memref<!tpu.dma_semaphore, #tpu.memory_space<semaphore_mem>>, %arg10: memref<!tpu.dma_semaphore, #tpu.memory_space<semaphore_mem>>, %arg11: memref<!tpu.dma_semaphore, #tpu.memory_space<semaphore_mem>>) attributes {dimension_semantics = [#tpu.dimension_semantics<core_parallel>, #tpu.dimension_semantics<subcore_parallel>], iteration_bounds = array<i64: 2, 16>, scalar_prefetch = 0 : i64, scratch_operands = 8 : i64, tpu.core_type = #tpu.core_type<sc_vector_subcore>, window_params = [{transform_indices = #map}, {transform_indices = #map}]} {
    %mul3A = arith.constant 2 : i32
    %mul3A_0 = arith.muli %arg1, %mul3A : i32
    %add3A = arith.addi %mul3A_0, %arg0 : i32
    %mul3A_1 = arith.constant 192 : i32
    %mul3A_2 = arith.muli %add3A, %mul3A_1 : i32
    %iota3A = tpu.iota {dimensions = array<i32: 0>} : vector<16xi32>
    %mul3A_3 = arith.constant 4 : i32
    %mul3A_4 = vector.broadcast %mul3A_3 : i32 to vector<16xi32>
    %mul3A_5 = arith.muli %iota3A, %mul3A_4 : vector<16xi32>
    %add3A_6 = arith.constant 1 : i32
    %add3A_7 = vector.broadcast %add3A_6 : i32 to vector<16xi32>
    %add3A_8 = arith.addi %mul3A_5, %add3A_7 : vector<16xi32>
    %add3A_9 = arith.constant 2 : i32
    %add3A_10 = vector.broadcast %add3A_9 : i32 to vector<16xi32>
    %add3A_11 = arith.addi %mul3A_5, %add3A_10 : vector<16xi32>
    %add3A_12 = arith.constant 3 : i32
    %add3A_13 = vector.broadcast %add3A_12 : i32 to vector<16xi32>
    %add3A_14 = arith.addi %mul3A_5, %add3A_13 : vector<16xi32>
    %broadcast_in_dim3A = arith.constant 0 : i32
    %broadcast_in_dim3A_15 = vector.broadcast %broadcast_in_dim3A : i32 to vector<16xi32>
    %add3A_16 = arith.constant 0 : i32
    %add3A_17 = arith.addi %mul3A_2, %add3A_16 : i32
    %dma_start3A = arith.constant 0 : i32
    %dma_start3A_18 = arith.constant 0 : i32
    %dma_start3A_19 = arith.constant 0 : i32
    %dma_start3A_20 = tpu.memref_slice %arg4[%dma_start3A, %dma_start3A_18, %dma_start3A_19] : memref<2x8x4096xf32, #tpu.memory_space<vmem>> -> memref<1x8x4096xf32, #tpu.memory_space<vmem>>
    %dma_start3A_21 = tpu.memref_squeeze %dma_start3A_20 : memref<1x8x4096xf32, #tpu.memory_space<vmem>> -> memref<8x4096xf32, #tpu.memory_space<vmem>>
    %dma_start3A_22 = arith.constant 0 : i32
    %dma_start3A_23 = tpu.memref_slice %arg2[%add3A_17, %dma_start3A_22] : memref<6144x4096xf32, #tpu.memory_space<hbm>> -> memref<8x4096xf32, #tpu.memory_space<hbm>>
    %dma_start3A_24 = arith.constant 0 : i32
    %dma_start3A_25 = arith.constant 0 : i32
    %dma_start3A_26 = tpu.memref_slice %arg4[%dma_start3A, %dma_start3A_24, %dma_start3A_25] : memref<2x8x4096xf32, #tpu.memory_space<vmem>> -> memref<1x8x4096xf32, #tpu.memory_space<vmem>>
    %dma_start3A_27 = tpu.memref_squeeze %dma_start3A_26 : memref<1x8x4096xf32, #tpu.memory_space<vmem>> -> memref<8x4096xf32, #tpu.memory_space<vmem>>
    %dma_start3A_28 = arith.constant 0 : i32
    %dma_start3A_29 = tpu.memref_slice %arg2[%add3A_17, %dma_start3A_28] : memref<6144x4096xf32, #tpu.memory_space<hbm>> -> memref<8x4096xf32, #tpu.memory_space<hbm>>
    tpu.enqueue_dma source(%dma_start3A_29 : memref<8x4096xf32, #tpu.memory_space<hbm>>) target(%dma_start3A_27 : memref<8x4096xf32, #tpu.memory_space<vmem>>) target_semaphore(%arg8 : memref<!tpu.dma_semaphore, #tpu.memory_space<semaphore_mem>>)
    %add3A_30 = arith.constant 8 : i32
    %add3A_31 = arith.addi %mul3A_2, %add3A_30 : i32
    %dma_start3A_32 = arith.constant 1 : i32
    %dma_start3A_33 = arith.constant 0 : i32
    %dma_start3A_34 = arith.constant 0 : i32
    %dma_start3A_35 = tpu.memref_slice %arg4[%dma_start3A_32, %dma_start3A_33, %dma_start3A_34] : memref<2x8x4096xf32, #tpu.memory_space<vmem>> -> memref<1x8x4096xf32, #tpu.memory_space<vmem>>
    %dma_start3A_36 = tpu.memref_squeeze %dma_start3A_35 : memref<1x8x4096xf32, #tpu.memory_space<vmem>> -> memref<8x4096xf32, #tpu.memory_space<vmem>>
    %dma_start3A_37 = arith.constant 0 : i32
    %dma_start3A_38 = tpu.memref_slice %arg2[%add3A_31, %dma_start3A_37] : memref<6144x4096xf32, #tpu.memory_space<hbm>> -> memref<8x4096xf32, #tpu.memory_space<hbm>>
    %dma_start3A_39 = arith.constant 0 : i32
    %dma_start3A_40 = arith.constant 0 : i32
    %dma_start3A_41 = tpu.memref_slice %arg4[%dma_start3A_32, %dma_start3A_39, %dma_start3A_40] : memref<2x8x4096xf32, #tpu.memory_space<vmem>> -> memref<1x8x4096xf32, #tpu.memory_space<vmem>>
    %dma_start3A_42 = tpu.memref_squeeze %dma_start3A_41 : memref<1x8x4096xf32, #tpu.memory_space<vmem>> -> memref<8x4096xf32, #tpu.memory_space<vmem>>
    %dma_start3A_43 = arith.constant 0 : i32
    %dma_start3A_44 = tpu.memref_slice %arg2[%add3A_31, %dma_start3A_43] : memref<6144x4096xf32, #tpu.memory_space<hbm>> -> memref<8x4096xf32, #tpu.memory_space<hbm>>
    tpu.enqueue_dma source(%dma_start3A_44 : memref<8x4096xf32, #tpu.memory_space<hbm>>) target(%dma_start3A_42 : memref<8x4096xf32, #tpu.memory_space<vmem>>) target_semaphore(%arg9 : memref<!tpu.dma_semaphore, #tpu.memory_space<semaphore_mem>>)
    %scan3A = arith.constant 0 : i32
    %scan3A_45 = arith.constant 0 : i32
    %scan3A_46 = arith.constant 12 : i32
    %scan3A_47 = arith.addi %scan3A_45, %scan3A_46 : i32
    %scan3A_48 = arith.constant 1 : i32
    %scan3A_49 = scf.for %scan3A_80 = %scan3A_45 to %scan3A_47 step %scan3A_48 iter_args(%scan3A_81 = %scan3A) -> (i32)  : i32 {
      %mul3A_82 = arith.constant 2 : i32
      %mul3A_83 = arith.muli %mul3A_82, %scan3A_80 : i32
      %mul3A_84 = arith.constant 8 : i32
      %mul3A_85 = arith.muli %mul3A_83, %mul3A_84 : i32
      %add3A_86 = arith.addi %mul3A_2, %mul3A_85 : i32
      %dma_wait3A_87 = arith.constant 0 : i32
      %dma_wait3A_88 = arith.constant 0 : i32
      %dma_wait3A_89 = arith.constant 0 : i32
      %dma_wait3A_90 = tpu.memref_slice %arg4[%dma_wait3A_87, %dma_wait3A_88, %dma_wait3A_89] : memref<2x8x4096xf32, #tpu.memory_space<vmem>> -> memref<1x8x4096xf32, #tpu.memory_space<vmem>>
      %dma_wait3A_91 = tpu.memref_squeeze %dma_wait3A_90 : memref<1x8x4096xf32, #tpu.memory_space<vmem>> -> memref<8x4096xf32, #tpu.memory_space<vmem>>
      %dma_wait3A_92 = arith.constant 0 : i32
      %dma_wait3A_93 = tpu.memref_slice %arg2[%add3A_86, %dma_wait3A_92] : memref<6144x4096xf32, #tpu.memory_space<hbm>> -> memref<8x4096xf32, #tpu.memory_space<hbm>>
      %dma_wait3A_94 = arith.constant 0 : i32
      %dma_wait3A_95 = arith.constant 0 : i32
      %dma_wait3A_96 = tpu.memref_slice %arg4[%dma_wait3A_87, %dma_wait3A_94, %dma_wait3A_95] : memref<2x8x4096xf32, #tpu.memory_space<vmem>> -> memref<1x8x4096xf32, #tpu.memory_space<vmem>>
      %dma_wait3A_97 = tpu.memref_squeeze %dma_wait3A_96 : memref<1x8x4096xf32, #tpu.memory_space<vmem>> -> memref<8x4096xf32, #tpu.memory_space<vmem>>
      %dma_wait3A_98 = arith.constant 0 : i32
      %dma_wait3A_99 = tpu.memref_slice %arg2[%add3A_86, %dma_wait3A_98] : memref<6144x4096xf32, #tpu.memory_space<hbm>> -> memref<8x4096xf32, #tpu.memory_space<hbm>>
      tpu.wait_dma2 semaphore(%arg8 : memref<!tpu.dma_semaphore, #tpu.memory_space<semaphore_mem>>) src(%dma_wait3A_99 : memref<8x4096xf32, #tpu.memory_space<hbm>>) dst(%dma_wait3A_97 : memref<8x4096xf32, #tpu.memory_space<vmem>>)
      %gt3A = arith.constant 0 : i32
      %gt3A_100 = arith.cmpi sgt, %scan3A_80, %gt3A : i32
      %convert_element_type3A = arith.extui %gt3A_100 : i1 to i32
      %cond3A = arith.constant 0 : i32
      %cond3A_101 = arith.cmpi ne, %convert_element_type3A, %cond3A : i32
      scf.if %cond3A_101 {
        %sub3A = arith.constant 2 : i32
        %sub3A_191 = arith.subi %mul3A_83, %sub3A : i32
        %mul3A_192 = arith.constant 8 : i32
        %mul3A_193 = arith.muli %sub3A_191, %mul3A_192 : i32
        %add3A_194 = arith.addi %mul3A_2, %mul3A_193 : i32
        %dma_wait3A_195 = arith.constant 0 : i32
        %dma_wait3A_196 = arith.constant 0 : i32
        %dma_wait3A_197 = arith.constant 0 : i32
        %dma_wait3A_198 = tpu.memref_slice %arg5[%dma_wait3A_195, %dma_wait3A_196, %dma_wait3A_197] : memref<2x8x1023xf32, #tpu.memory_space<vmem>> -> memref<1x8x1023xf32, #tpu.memory_space<vmem>>
        %dma_wait3A_199 = tpu.memref_squeeze %dma_wait3A_198 : memref<1x8x1023xf32, #tpu.memory_space<vmem>> -> memref<8x1023xf32, #tpu.memory_space<vmem>>
        %dma_wait3A_200 = arith.constant 0 : i32
        %dma_wait3A_201 = tpu.memref_slice %arg3[%add3A_194, %dma_wait3A_200] : memref<6144x1023xf32, #tpu.memory_space<hbm>> -> memref<8x1023xf32, #tpu.memory_space<hbm>>
        %dma_wait3A_202 = arith.constant 0 : i32
        %dma_wait3A_203 = tpu.memref_slice %arg3[%add3A_194, %dma_wait3A_202] : memref<6144x1023xf32, #tpu.memory_space<hbm>> -> memref<8x1023xf32, #tpu.memory_space<hbm>>
        %dma_wait3A_204 = arith.constant 0 : i32
        %dma_wait3A_205 = arith.constant 0 : i32
        %dma_wait3A_206 = tpu.memref_slice %arg5[%dma_wait3A_195, %dma_wait3A_204, %dma_wait3A_205] : memref<2x8x1023xf32, #tpu.memory_space<vmem>> -> memref<1x8x1023xf32, #tpu.memory_space<vmem>>
        %dma_wait3A_207 = tpu.memref_squeeze %dma_wait3A_206 : memref<1x8x1023xf32, #tpu.memory_space<vmem>> -> memref<8x1023xf32, #tpu.memory_space<vmem>>
        tpu.wait_dma2 semaphore(%arg10 : memref<!tpu.dma_semaphore, #tpu.memory_space<semaphore_mem>>) src(%dma_wait3A_207 : memref<8x1023xf32, #tpu.memory_space<vmem>>) dst(%dma_wait3A_203 : memref<8x1023xf32, #tpu.memory_space<hbm>>)
      } else {
      }
      %add3A_102 = arith.constant 0 : i32
      %add3A_103 = vector.broadcast %add3A_102 : i32 to vector<16xi32>
      %add3A_104 = arith.addi %broadcast_in_dim3A_15, %add3A_103 : vector<16xi32>
      %scan3A_105 = arith.constant 0 : i32
      %scan3A_106 = arith.constant 0 : i32
      %scan3A_107 = arith.constant 0 : i32
      %scan3A_108 = arith.constant 8 : i32
      %scan3A_109 = arith.addi %scan3A_107, %scan3A_108 : i32
      %scan3A_110 = arith.constant 1 : i32
      %scan3A_111 = scf.for %scan3A_191 = %scan3A_107 to %scan3A_109 step %scan3A_110 iter_args(%scan3A_192 = %scan3A_106) -> (i32)  : i32 {
        %add3A_193 = vector.broadcast %scan3A_191 : i32 to vector<16xi32>
        %add3A_194 = arith.addi %broadcast_in_dim3A_15, %add3A_193 : vector<16xi32>
        %parallel_loop3A = arith.constant 0 : i32
        %parallel_loop3A_195 = arith.constant 64 : i32
        %parallel_loop3A_196 = arith.constant 1 : i32
        scf.for %parallel_loop3A_220 = %parallel_loop3A to %parallel_loop3A_195 step %parallel_loop3A_196  : i32 {
          %parallel_loop3A_221 = arith.constant 64 : i32
          %parallel_loop3A_222 = arith.muli %parallel_loop3A_221, %parallel_loop3A_220 : i32
          %parallel_loop3A_223 = vector.broadcast %parallel_loop3A_222 : i32 to vector<16xi32>
          %parallel_loop3A_224 = arith.addi %mul3A_5, %parallel_loop3A_223 : vector<16xi32>
          %parallel_loop3A_225 = arith.constant 0 : i32
          %parallel_loop3A_226 = arith.constant 0 : i32
          %parallel_loop3A_227 = tpu.memref_slice %arg4[%scan3A_105, %parallel_loop3A_225, %parallel_loop3A_226] : memref<2x8x4096xf32, #tpu.memory_space<vmem>> -> memref<1x8x4096xf32, #tpu.memory_space<vmem>>
          %parallel_loop3A_228 = tpu.memref_squeeze %parallel_loop3A_227 : memref<1x8x4096xf32, #tpu.memory_space<vmem>> -> memref<8x4096xf32, #tpu.memory_space<vmem>>
          %parallel_loop3A_229 = tpu.vector_load_idx %parallel_loop3A_228[%add3A_194, %parallel_loop3A_224] : memref<8x4096xf32, #tpu.memory_space<vmem>>[vector<16xi32>, vector<16xi32>], vector<16xf32>,
          %parallel_loop3A_230 = vector.broadcast %parallel_loop3A_222 : i32 to vector<16xi32>
          %parallel_loop3A_231 = arith.addi %add3A_8, %parallel_loop3A_230 : vector<16xi32>
          %parallel_loop3A_232 = arith.constant 0 : i32
          %parallel_loop3A_233 = arith.constant 0 : i32
          %parallel_loop3A_234 = tpu.memref_slice %arg4[%scan3A_105, %parallel_loop3A_232, %parallel_loop3A_233] : memref<2x8x4096xf32, #tpu.memory_space<vmem>> -> memref<1x8x4096xf32, #tpu.memory_space<vmem>>
          %parallel_loop3A_235 = tpu.memref_squeeze %parallel_loop3A_234 : memref<1x8x4096xf32, #tpu.memory_space<vmem>> -> memref<8x4096xf32, #tpu.memory_space<vmem>>
          %parallel_loop3A_236 = tpu.vector_load_idx %parallel_loop3A_235[%add3A_194, %parallel_loop3A_231] : memref<8x4096xf32, #tpu.memory_space<vmem>>[vector<16xi32>, vector<16xi32>], vector<16xf32>,
          %parallel_loop3A_237 = vector.broadcast %parallel_loop3A_222 : i32 to vector<16xi32>
          %parallel_loop3A_238 = arith.addi %add3A_11, %parallel_loop3A_237 : vector<16xi32>
          %parallel_loop3A_239 = arith.constant 0 : i32
          %parallel_loop3A_240 = arith.constant 0 : i32
          %parallel_loop3A_241 = tpu.memref_slice %arg4[%scan3A_105, %parallel_loop3A_239, %parallel_loop3A_240] : memref<2x8x4096xf32, #tpu.memory_space<vmem>> -> memref<1x8x4096xf32, #tpu.memory_space<vmem>>
          %parallel_loop3A_242 = tpu.memref_squeeze %parallel_loop3A_241 : memref<1x8x4096xf32, #tpu.memory_space<vmem>> -> memref<8x4096xf32, #tpu.memory_space<vmem>>
          %parallel_loop3A_243 = tpu.vector_load_idx %parallel_loop3A_242[%add3A_194, %parallel_loop3A_238] : memref<8x4096xf32, #tpu.memory_space<vmem>>[vector<16xi32>, vector<16xi32>], vector<16xf32>,
          %parallel_loop3A_244 = vector.broadcast %parallel_loop3A_222 : i32 to vector<16xi32>
          %parallel_loop3A_245 = arith.addi %add3A_14, %parallel_loop3A_244 : vector<16xi32>
          %parallel_loop3A_246 = arith.constant 0 : i32
          %parallel_loop3A_247 = arith.constant 0 : i32
          %parallel_loop3A_248 = tpu.memref_slice %arg4[%scan3A_105, %parallel_loop3A_246, %parallel_loop3A_247] : memref<2x8x4096xf32, #tpu.memory_space<vmem>> -> memref<1x8x4096xf32, #tpu.memory_space<vmem>>
          %parallel_loop3A_249 = tpu.memref_squeeze %parallel_loop3A_248 : memref<1x8x4096xf32, #tpu.memory_space<vmem>> -> memref<8x4096xf32, #tpu.memory_space<vmem>>
          %parallel_loop3A_250 = tpu.vector_load_idx %parallel_loop3A_249[%add3A_194, %parallel_loop3A_245] : memref<8x4096xf32, #tpu.memory_space<vmem>>[vector<16xi32>, vector<16xi32>], vector<16xf32>,
          %parallel_loop3A_251 = arith.addf %parallel_loop3A_229, %parallel_loop3A_236 : vector<16xf32>
          %parallel_loop3A_252 = arith.addf %parallel_loop3A_243, %parallel_loop3A_250 : vector<16xf32>
          %parallel_loop3A_253 = arith.addf %parallel_loop3A_251, %parallel_loop3A_252 : vector<16xf32>
          %parallel_loop3A_254 = arith.constant 16 : i32
          %parallel_loop3A_255 = arith.muli %parallel_loop3A_220, %parallel_loop3A_254 : i32
          %parallel_loop3A_256 = arith.index_cast %parallel_loop3A_255 : i32 to index
          %parallel_loop3A_257 = tpu.vector_load %arg6[%parallel_loop3A_256] {strides = array<i32>} : memref<1040xf32, #tpu.memory_space<vmem>>, vector<16xf32>,
          tpu.vector_store %arg6[%parallel_loop3A_256], %parallel_loop3A_253 {strides = array<i32>} : memref<1040xf32, #tpu.memory_space<vmem>>, vector<16xf32>,
          %parallel_loop3A_258 = arith.mulf %parallel_loop3A_229, %parallel_loop3A_229 : vector<16xf32>
          %parallel_loop3A_259 = arith.mulf %parallel_loop3A_236, %parallel_loop3A_236 : vector<16xf32>
          %parallel_loop3A_260 = arith.addf %parallel_loop3A_258, %parallel_loop3A_259 : vector<16xf32>
          %parallel_loop3A_261 = arith.mulf %parallel_loop3A_243, %parallel_loop3A_243 : vector<16xf32>
          %parallel_loop3A_262 = arith.mulf %parallel_loop3A_250, %parallel_loop3A_250 : vector<16xf32>
          %parallel_loop3A_263 = arith.addf %parallel_loop3A_261, %parallel_loop3A_262 : vector<16xf32>
          %parallel_loop3A_264 = arith.addf %parallel_loop3A_260, %parallel_loop3A_263 : vector<16xf32>
          %parallel_loop3A_265 = arith.constant 16 : i32
          %parallel_loop3A_266 = arith.muli %parallel_loop3A_220, %parallel_loop3A_265 : i32
          %parallel_loop3A_267 = arith.index_cast %parallel_loop3A_266 : i32 to index
          %parallel_loop3A_268 = tpu.vector_load %arg7[%parallel_loop3A_267] {strides = array<i32>} : memref<1040xf32, #tpu.memory_space<vmem>>, vector<16xf32>,
          tpu.vector_store %arg7[%parallel_loop3A_267], %parallel_loop3A_264 {strides = array<i32>} : memref<1040xf32, #tpu.memory_space<vmem>>, vector<16xf32>,
        } {sc.loop_unroll_factor = 4 : i64, sc.parallel_access}
        %parallel_loop3A_197 = arith.constant 0 : i32
        %parallel_loop3A_198 = arith.constant 63 : i32
        %parallel_loop3A_199 = arith.constant 1 : i32
        scf.for %parallel_loop3A_220 = %parallel_loop3A_197 to %parallel_loop3A_198 step %parallel_loop3A_199  : i32 {
          %parallel_loop3A_221 = arith.constant 16 : i32
          %parallel_loop3A_222 = arith.muli %parallel_loop3A_220, %parallel_loop3A_221 : i32
          %parallel_loop3A_223 = vector.broadcast %parallel_loop3A_222 : i32 to vector<16xi32>
          %parallel_loop3A_224 = arith.addi %iota3A, %parallel_loop3A_223 : vector<16xi32>
          %parallel_loop3A_225 = arith.index_cast %parallel_loop3A_222 : i32 to index
          %parallel_loop3A_226 = tpu.vector_load %arg6[%parallel_loop3A_225] {strides = array<i32>} : memref<1040xf32, #tpu.memory_space<vmem>>, vector<16xf32>,
          %parallel_loop3A_227 = arith.constant 1 : i32
          %parallel_loop3A_228 = arith.addi %parallel_loop3A_222, %parallel_loop3A_227 : i32
          %parallel_loop3A_229 = arith.index_cast %parallel_loop3A_228 : i32 to index
          %parallel_loop3A_230 = tpu.vector_load %arg6[%parallel_loop3A_229] {strides = array<i32>} : memref<1040xf32, #tpu.memory_space<vmem>>, vector<16xf32>,
          %parallel_loop3A_231 = arith.index_cast %parallel_loop3A_222 : i32 to index
          %parallel_loop3A_232 = tpu.vector_load %arg7[%parallel_loop3A_231] {strides = array<i32>} : memref<1040xf32, #tpu.memory_space<vmem>>, vector<16xf32>,
          %parallel_loop3A_233 = arith.constant 1 : i32
          %parallel_loop3A_234 = arith.addi %parallel_loop3A_222, %parallel_loop3A_233 : i32
          %parallel_loop3A_235 = arith.index_cast %parallel_loop3A_234 : i32 to index
          %parallel_loop3A_236 = tpu.vector_load %arg7[%parallel_loop3A_235] {strides = array<i32>} : memref<1040xf32, #tpu.memory_space<vmem>>, vector<16xf32>,
          %parallel_loop3A_237 = arith.addf %parallel_loop3A_226, %parallel_loop3A_230 : vector<16xf32>
          %parallel_loop3A_238 = arith.addf %parallel_loop3A_232, %parallel_loop3A_236 : vector<16xf32>
          %parallel_loop3A_239 = arith.constant 0.000000e+00 : f32
          %parallel_loop3A_240 = vector.broadcast %parallel_loop3A_239 : f32 to vector<16xf32>
          %parallel_loop3A_241 = arith.cmpf ogt, %parallel_loop3A_237, %parallel_loop3A_240 : vector<16xf32>
          %parallel_loop3A_242 = arith.divf %parallel_loop3A_238, %parallel_loop3A_237 : vector<16xf32>
          %parallel_loop3A_243 = arith.constant 0.000000e+00 : f32
          %parallel_loop3A_244 = vector.broadcast %parallel_loop3A_243 : f32 to vector<16xf32>
          %parallel_loop3A_245 = arith.select %parallel_loop3A_241, %parallel_loop3A_242, %parallel_loop3A_244 : vector<16xi1>, vector<16xf32>
          tpu.vector_store_idx %arg5[%add3A_104, %add3A_194, %parallel_loop3A_224], %parallel_loop3A_245 : memref<2x8x1023xf32, #tpu.memory_space<vmem>>[vector<16xi32>, vector<16xi32>, vector<16xi32>], vector<16xf32>,
        } {sc.loop_unroll_factor = 4 : i64, sc.parallel_access}
        %add3A_200 = arith.constant 1008 : i32
        %add3A_201 = vector.broadcast %add3A_200 : i32 to vector<16xi32>
        %add3A_202 = arith.addi %iota3A, %add3A_201 : vector<16xi32>
        %get3A = arith.constant 1008 : index
        %get3A_203 = tpu.vector_load %arg6[%get3A] {strides = array<i32>} : memref<1040xf32, #tpu.memory_space<vmem>>, vector<16xf32>,
        %get3A_204 = arith.constant 1009 : index
        %get3A_205 = tpu.vector_load %arg6[%get3A_204] {strides = array<i32>} : memref<1040xf32, #tpu.memory_space<vmem>>, vector<16xf32>,
        %get3A_206 = arith.constant 1008 : index
        %get3A_207 = tpu.vector_load %arg7[%get3A_206] {strides = array<i32>} : memref<1040xf32, #tpu.memory_space<vmem>>, vector<16xf32>,
        %get3A_208 = arith.constant 1009 : index
        %get3A_209 = tpu.vector_load %arg7[%get3A_208] {strides = array<i32>} : memref<1040xf32, #tpu.memory_space<vmem>>, vector<16xf32>,
        %add3A_210 = arith.addf %get3A_203, %get3A_205 : vector<16xf32>
        %add3A_211 = arith.addf %get3A_207, %get3A_209 : vector<16xf32>
        %gt3A_212 = arith.constant 0.000000e+00 : f32
        %gt3A_213 = vector.broadcast %gt3A_212 : f32 to vector<16xf32>
        %gt3A_214 = arith.cmpf ogt, %add3A_210, %gt3A_213 : vector<16xf32>
        %div3A = arith.divf %add3A_211, %add3A_210 : vector<16xf32>
        %jit3A = arith.constant 0.000000e+00 : f32
        %broadcast_in_dim3A_215 = vector.broadcast %jit3A : f32 to vector<16xf32>
        %select_n3A = arith.select %gt3A_214, %div3A, %broadcast_in_dim3A_215 : vector<16xi1>, vector<16xf32>
        %lt3A_216 = arith.constant 15 : i32
        %lt3A_217 = vector.broadcast %lt3A_216 : i32 to vector<16xi32>
        %lt3A_218 = arith.cmpi slt, %iota3A, %lt3A_217 : vector<16xi32>
        tpu.vector_store_idx %arg5[%add3A_104, %add3A_194, %add3A_202], %select_n3A masked %lt3A_218 : memref<2x8x1023xf32, #tpu.memory_space<vmem>>[vector<16xi32>, vector<16xi32>, vector<16xi32>], vector<16xf32>, vector<16xi1>
        %scan3A_219 = arith.constant 0 : i32
        scf.yield %scan3A_219 : i32
      }
      %scan3A_112 = arith.constant 8 : i32
      %mul3A_113 = arith.constant 8 : i32
      %mul3A_114 = arith.muli %mul3A_83, %mul3A_113 : i32
      %add3A_115 = arith.addi %mul3A_2, %mul3A_114 : i32
      %dma_start3A_116 = arith.constant 0 : i32
      %dma_start3A_117 = arith.constant 0 : i32
      %dma_start3A_118 = arith.constant 0 : i32
      %dma_start3A_119 = tpu.memref_slice %arg5[%dma_start3A_116, %dma_start3A_117, %dma_start3A_118] : memref<2x8x1023xf32, #tpu.memory_space<vmem>> -> memref<1x8x1023xf32, #tpu.memory_space<vmem>>
      %dma_start3A_120 = tpu.memref_squeeze %dma_start3A_119 : memref<1x8x1023xf32, #tpu.memory_space<vmem>> -> memref<8x1023xf32, #tpu.memory_space<vmem>>
      %dma_start3A_121 = arith.constant 0 : i32
      %dma_start3A_122 = tpu.memref_slice %arg3[%add3A_115, %dma_start3A_121] : memref<6144x1023xf32, #tpu.memory_space<hbm>> -> memref<8x1023xf32, #tpu.memory_space<hbm>>
      %dma_start3A_123 = arith.constant 0 : i32
      %dma_start3A_124 = tpu.memref_slice %arg3[%add3A_115, %dma_start3A_123] : memref<6144x1023xf32, #tpu.memory_space<hbm>> -> memref<8x1023xf32, #tpu.memory_space<hbm>>
      %dma_start3A_125 = arith.constant 0 : i32
      %dma_start3A_126 = arith.constant 0 : i32
      %dma_start3A_127 = tpu.memref_slice %arg5[%dma_start3A_116, %dma_start3A_125, %dma_start3A_126] : memref<2x8x1023xf32, #tpu.memory_space<vmem>> -> memref<1x8x1023xf32, #tpu.memory_space<vmem>>
      %dma_start3A_128 = tpu.memref_squeeze %dma_start3A_127 : memref<1x8x1023xf32, #tpu.memory_space<vmem>> -> memref<8x1023xf32, #tpu.memory_space<vmem>>
      tpu.enqueue_dma source(%dma_start3A_128 : memref<8x1023xf32, #tpu.memory_space<vmem>>) target(%dma_start3A_124 : memref<8x1023xf32, #tpu.memory_space<hbm>>) target_semaphore(%arg10 : memref<!tpu.dma_semaphore, #tpu.memory_space<semaphore_mem>>)
      %lt3A = arith.constant 11 : i32
      %lt3A_129 = arith.cmpi slt, %scan3A_80, %lt3A : i32
      %convert_element_type3A_130 = arith.extui %lt3A_129 : i1 to i32
      %cond3A_131 = arith.constant 0 : i32
      %cond3A_132 = arith.cmpi ne, %convert_element_type3A_130, %cond3A_131 : i32
      scf.if %cond3A_132 {
        %add3A_191 = arith.constant 2 : i32
        %add3A_192 = arith.addi %mul3A_83, %add3A_191 : i32
        %mul3A_193 = arith.constant 8 : i32
        %mul3A_194 = arith.muli %add3A_192, %mul3A_193 : i32
        %add3A_195 = arith.addi %mul3A_2, %mul3A_194 : i32
        %dma_start3A_196 = arith.constant 0 : i32
        %dma_start3A_197 = arith.constant 0 : i32
        %dma_start3A_198 = arith.constant 0 : i32
        %dma_start3A_199 = tpu.memref_slice %arg4[%dma_start3A_196, %dma_start3A_197, %dma_start3A_198] : memref<2x8x4096xf32, #tpu.memory_space<vmem>> -> memref<1x8x4096xf32, #tpu.memory_space<vmem>>
        %dma_start3A_200 = tpu.memref_squeeze %dma_start3A_199 : memref<1x8x4096xf32, #tpu.memory_space<vmem>> -> memref<8x4096xf32, #tpu.memory_space<vmem>>
        %dma_start3A_201 = arith.constant 0 : i32
        %dma_start3A_202 = tpu.memref_slice %arg2[%add3A_195, %dma_start3A_201] : memref<6144x4096xf32, #tpu.memory_space<hbm>> -> memref<8x4096xf32, #tpu.memory_space<hbm>>
        %dma_start3A_203 = arith.constant 0 : i32
        %dma_start3A_204 = arith.constant 0 : i32
        %dma_start3A_205 = tpu.memref_slice %arg4[%dma_start3A_196, %dma_start3A_203, %dma_start3A_204] : memref<2x8x4096xf32, #tpu.memory_space<vmem>> -> memref<1x8x4096xf32, #tpu.memory_space<vmem>>
        %dma_start3A_206 = tpu.memref_squeeze %dma_start3A_205 : memref<1x8x4096xf32, #tpu.memory_space<vmem>> -> memref<8x4096xf32, #tpu.memory_space<vmem>>
        %dma_start3A_207 = arith.constant 0 : i32
        %dma_start3A_208 = tpu.memref_slice %arg2[%add3A_195, %dma_start3A_207] : memref<6144x4096xf32, #tpu.memory_space<hbm>> -> memref<8x4096xf32, #tpu.memory_space<hbm>>
        tpu.enqueue_dma source(%dma_start3A_208 : memref<8x4096xf32, #tpu.memory_space<hbm>>) target(%dma_start3A_206 : memref<8x4096xf32, #tpu.memory_space<vmem>>) target_semaphore(%arg8 : memref<!tpu.dma_semaphore, #tpu.memory_space<semaphore_mem>>)
      } else {
      }
      %add3A_133 = arith.constant 1 : i32
      %add3A_134 = arith.addi %mul3A_83, %add3A_133 : i32
      %mul3A_135 = arith.constant 8 : i32
      %mul3A_136 = arith.muli %add3A_134, %mul3A_135 : i32
      %add3A_137 = arith.addi %mul3A_2, %mul3A_136 : i32
      %dma_wait3A_138 = arith.constant 1 : i32
      %dma_wait3A_139 = arith.constant 0 : i32
      %dma_wait3A_140 = arith.constant 0 : i32
      %dma_wait3A_141 = tpu.memref_slice %arg4[%dma_wait3A_138, %dma_wait3A_139, %dma_wait3A_140] : memref<2x8x4096xf32, #tpu.memory_space<vmem>> -> memref<1x8x4096xf32, #tpu.memory_space<vmem>>
      %dma_wait3A_142 = tpu.memref_squeeze %dma_wait3A_141 : memref<1x8x4096xf32, #tpu.memory_space<vmem>> -> memref<8x4096xf32, #tpu.memory_space<vmem>>
      %dma_wait3A_143 = arith.constant 0 : i32
      %dma_wait3A_144 = tpu.memref_slice %arg2[%add3A_137, %dma_wait3A_143] : memref<6144x4096xf32, #tpu.memory_space<hbm>> -> memref<8x4096xf32, #tpu.memory_space<hbm>>
      %dma_wait3A_145 = arith.constant 0 : i32
      %dma_wait3A_146 = arith.constant 0 : i32
      %dma_wait3A_147 = tpu.memref_slice %arg4[%dma_wait3A_138, %dma_wait3A_145, %dma_wait3A_146] : memref<2x8x4096xf32, #tpu.memory_space<vmem>> -> memref<1x8x4096xf32, #tpu.memory_space<vmem>>
      %dma_wait3A_148 = tpu.memref_squeeze %dma_wait3A_147 : memref<1x8x4096xf32, #tpu.memory_space<vmem>> -> memref<8x4096xf32, #tpu.memory_space<vmem>>
      %dma_wait3A_149 = arith.constant 0 : i32
      %dma_wait3A_150 = tpu.memref_slice %arg2[%add3A_137, %dma_wait3A_149] : memref<6144x4096xf32, #tpu.memory_space<hbm>> -> memref<8x4096xf32, #tpu.memory_space<hbm>>
      tpu.wait_dma2 semaphore(%arg9 : memref<!tpu.dma_semaphore, #tpu.memory_space<semaphore_mem>>) src(%dma_wait3A_150 : memref<8x4096xf32, #tpu.memory_space<hbm>>) dst(%dma_wait3A_148 : memref<8x4096xf32, #tpu.memory_space<vmem>>)
      %gt3A_151 = arith.constant 0 : i32
      %gt3A_152 = arith.cmpi sgt, %scan3A_80, %gt3A_151 : i32
      %convert_element_type3A_153 = arith.extui %gt3A_152 : i1 to i32
      %cond3A_154 = arith.constant 0 : i32
      %cond3A_155 = arith.cmpi ne, %convert_element_type3A_153, %cond3A_154 : i32
      scf.if %cond3A_155 {
        %sub3A = arith.constant 1 : i32
        %sub3A_191 = arith.subi %mul3A_83, %sub3A : i32
        %mul3A_192 = arith.constant 8 : i32
        %mul3A_193 = arith.muli %sub3A_191, %mul3A_192 : i32
        %add3A_194 = arith.addi %mul3A_2, %mul3A_193 : i32
        %dma_wait3A_195 = arith.constant 1 : i32
        %dma_wait3A_196 = arith.constant 0 : i32
        %dma_wait3A_197 = arith.constant 0 : i32
        %dma_wait3A_198 = tpu.memref_slice %arg5[%dma_wait3A_195, %dma_wait3A_196, %dma_wait3A_197] : memref<2x8x1023xf32, #tpu.memory_space<vmem>> -> memref<1x8x1023xf32, #tpu.memory_space<vmem>>
        %dma_wait3A_199 = tpu.memref_squeeze %dma_wait3A_198 : memref<1x8x1023xf32, #tpu.memory_space<vmem>> -> memref<8x1023xf32, #tpu.memory_space<vmem>>
        %dma_wait3A_200 = arith.constant 0 : i32
        %dma_wait3A_201 = tpu.memref_slice %arg3[%add3A_194, %dma_wait3A_200] : memref<6144x1023xf32, #tpu.memory_space<hbm>> -> memref<8x1023xf32, #tpu.memory_space<hbm>>
        %dma_wait3A_202 = arith.constant 0 : i32
        %dma_wait3A_203 = tpu.memref_slice %arg3[%add3A_194, %dma_wait3A_202] : memref<6144x1023xf32, #tpu.memory_space<hbm>> -> memref<8x1023xf32, #tpu.memory_space<hbm>>
        %dma_wait3A_204 = arith.constant 0 : i32
        %dma_wait3A_205 = arith.constant 0 : i32
        %dma_wait3A_206 = tpu.memref_slice %arg5[%dma_wait3A_195, %dma_wait3A_204, %dma_wait3A_205] : memref<2x8x1023xf32, #tpu.memory_space<vmem>> -> memref<1x8x1023xf32, #tpu.memory_space<vmem>>
        %dma_wait3A_207 = tpu.memref_squeeze %dma_wait3A_206 : memref<1x8x1023xf32, #tpu.memory_space<vmem>> -> memref<8x1023xf32, #tpu.memory_space<vmem>>
        tpu.wait_dma2 semaphore(%arg11 : memref<!tpu.dma_semaphore, #tpu.memory_space<semaphore_mem>>) src(%dma_wait3A_207 : memref<8x1023xf32, #tpu.memory_space<vmem>>) dst(%dma_wait3A_203 : memref<8x1023xf32, #tpu.memory_space<hbm>>)
      } else {
      }
      %add3A_156 = arith.constant 1 : i32
      %add3A_157 = vector.broadcast %add3A_156 : i32 to vector<16xi32>
      %add3A_158 = arith.addi %broadcast_in_dim3A_15, %add3A_157 : vector<16xi32>
      %scan3A_159 = arith.constant 1 : i32
      %scan3A_160 = arith.constant 0 : i32
      %scan3A_161 = arith.constant 0 : i32
      %scan3A_162 = arith.constant 8 : i32
      %scan3A_163 = arith.addi %scan3A_161, %scan3A_162 : i32
      %scan3A_164 = arith.constant 1 : i32
      %scan3A_165 = scf.for %scan3A_191 = %scan3A_161 to %scan3A_163 step %scan3A_164 iter_args(%scan3A_192 = %scan3A_160) -> (i32)  : i32 {
        %add3A_193 = vector.broadcast %scan3A_191 : i32 to vector<16xi32>
        %add3A_194 = arith.addi %broadcast_in_dim3A_15, %add3A_193 : vector<16xi32>
        %parallel_loop3A = arith.constant 0 : i32
        %parallel_loop3A_195 = arith.constant 64 : i32
        %parallel_loop3A_196 = arith.constant 1 : i32
        scf.for %parallel_loop3A_220 = %parallel_loop3A to %parallel_loop3A_195 step %parallel_loop3A_196  : i32 {
          %parallel_loop3A_221 = arith.constant 64 : i32
          %parallel_loop3A_222 = arith.muli %parallel_loop3A_221, %parallel_loop3A_220 : i32
          %parallel_loop3A_223 = vector.broadcast %parallel_loop3A_222 : i32 to vector<16xi32>
          %parallel_loop3A_224 = arith.addi %mul3A_5, %parallel_loop3A_223 : vector<16xi32>
          %parallel_loop3A_225 = arith.constant 0 : i32
          %parallel_loop3A_226 = arith.constant 0 : i32
          %parallel_loop3A_227 = tpu.memref_slice %arg4[%scan3A_159, %parallel_loop3A_225, %parallel_loop3A_226] : memref<2x8x4096xf32, #tpu.memory_space<vmem>> -> memref<1x8x4096xf32, #tpu.memory_space<vmem>>
          %parallel_loop3A_228 = tpu.memref_squeeze %parallel_loop3A_227 : memref<1x8x4096xf32, #tpu.memory_space<vmem>> -> memref<8x4096xf32, #tpu.memory_space<vmem>>
          %parallel_loop3A_229 = tpu.vector_load_idx %parallel_loop3A_228[%add3A_194, %parallel_loop3A_224] : memref<8x4096xf32, #tpu.memory_space<vmem>>[vector<16xi32>, vector<16xi32>], vector<16xf32>,
          %parallel_loop3A_230 = vector.broadcast %parallel_loop3A_222 : i32 to vector<16xi32>
          %parallel_loop3A_231 = arith.addi %add3A_8, %parallel_loop3A_230 : vector<16xi32>
          %parallel_loop3A_232 = arith.constant 0 : i32
          %parallel_loop3A_233 = arith.constant 0 : i32
          %parallel_loop3A_234 = tpu.memref_slice %arg4[%scan3A_159, %parallel_loop3A_232, %parallel_loop3A_233] : memref<2x8x4096xf32, #tpu.memory_space<vmem>> -> memref<1x8x4096xf32, #tpu.memory_space<vmem>>
          %parallel_loop3A_235 = tpu.memref_squeeze %parallel_loop3A_234 : memref<1x8x4096xf32, #tpu.memory_space<vmem>> -> memref<8x4096xf32, #tpu.memory_space<vmem>>
          %parallel_loop3A_236 = tpu.vector_load_idx %parallel_loop3A_235[%add3A_194, %parallel_loop3A_231] : memref<8x4096xf32, #tpu.memory_space<vmem>>[vector<16xi32>, vector<16xi32>], vector<16xf32>,
          %parallel_loop3A_237 = vector.broadcast %parallel_loop3A_222 : i32 to vector<16xi32>
          %parallel_loop3A_238 = arith.addi %add3A_11, %parallel_loop3A_237 : vector<16xi32>
          %parallel_loop3A_239 = arith.constant 0 : i32
          %parallel_loop3A_240 = arith.constant 0 : i32
          %parallel_loop3A_241 = tpu.memref_slice %arg4[%scan3A_159, %parallel_loop3A_239, %parallel_loop3A_240] : memref<2x8x4096xf32, #tpu.memory_space<vmem>> -> memref<1x8x4096xf32, #tpu.memory_space<vmem>>
          %parallel_loop3A_242 = tpu.memref_squeeze %parallel_loop3A_241 : memref<1x8x4096xf32, #tpu.memory_space<vmem>> -> memref<8x4096xf32, #tpu.memory_space<vmem>>
          %parallel_loop3A_243 = tpu.vector_load_idx %parallel_loop3A_242[%add3A_194, %parallel_loop3A_238] : memref<8x4096xf32, #tpu.memory_space<vmem>>[vector<16xi32>, vector<16xi32>], vector<16xf32>,
          %parallel_loop3A_244 = vector.broadcast %parallel_loop3A_222 : i32 to vector<16xi32>
          %parallel_loop3A_245 = arith.addi %add3A_14, %parallel_loop3A_244 : vector<16xi32>
          %parallel_loop3A_246 = arith.constant 0 : i32
          %parallel_loop3A_247 = arith.constant 0 : i32
          %parallel_loop3A_248 = tpu.memref_slice %arg4[%scan3A_159, %parallel_loop3A_246, %parallel_loop3A_247] : memref<2x8x4096xf32, #tpu.memory_space<vmem>> -> memref<1x8x4096xf32, #tpu.memory_space<vmem>>
          %parallel_loop3A_249 = tpu.memref_squeeze %parallel_loop3A_248 : memref<1x8x4096xf32, #tpu.memory_space<vmem>> -> memref<8x4096xf32, #tpu.memory_space<vmem>>
          %parallel_loop3A_250 = tpu.vector_load_idx %parallel_loop3A_249[%add3A_194, %parallel_loop3A_245] : memref<8x4096xf32, #tpu.memory_space<vmem>>[vector<16xi32>, vector<16xi32>], vector<16xf32>,
          %parallel_loop3A_251 = arith.addf %parallel_loop3A_229, %parallel_loop3A_236 : vector<16xf32>
          %parallel_loop3A_252 = arith.addf %parallel_loop3A_243, %parallel_loop3A_250 : vector<16xf32>
          %parallel_loop3A_253 = arith.addf %parallel_loop3A_251, %parallel_loop3A_252 : vector<16xf32>
          %parallel_loop3A_254 = arith.constant 16 : i32
          %parallel_loop3A_255 = arith.muli %parallel_loop3A_220, %parallel_loop3A_254 : i32
          %parallel_loop3A_256 = arith.index_cast %parallel_loop3A_255 : i32 to index
          %parallel_loop3A_257 = tpu.vector_load %arg6[%parallel_loop3A_256] {strides = array<i32>} : memref<1040xf32, #tpu.memory_space<vmem>>, vector<16xf32>,
          tpu.vector_store %arg6[%parallel_loop3A_256], %parallel_loop3A_253 {strides = array<i32>} : memref<1040xf32, #tpu.memory_space<vmem>>, vector<16xf32>,
          %parallel_loop3A_258 = arith.mulf %parallel_loop3A_229, %parallel_loop3A_229 : vector<16xf32>
          %parallel_loop3A_259 = arith.mulf %parallel_loop3A_236, %parallel_loop3A_236 : vector<16xf32>
          %parallel_loop3A_260 = arith.addf %parallel_loop3A_258, %parallel_loop3A_259 : vector<16xf32>
          %parallel_loop3A_261 = arith.mulf %parallel_loop3A_243, %parallel_loop3A_243 : vector<16xf32>
          %parallel_loop3A_262 = arith.mulf %parallel_loop3A_250, %parallel_loop3A_250 : vector<16xf32>
          %parallel_loop3A_263 = arith.addf %parallel_loop3A_261, %parallel_loop3A_262 : vector<16xf32>
          %parallel_loop3A_264 = arith.addf %parallel_loop3A_260, %parallel_loop3A_263 : vector<16xf32>
          %parallel_loop3A_265 = arith.constant 16 : i32
          %parallel_loop3A_266 = arith.muli %parallel_loop3A_220, %parallel_loop3A_265 : i32
          %parallel_loop3A_267 = arith.index_cast %parallel_loop3A_266 : i32 to index
          %parallel_loop3A_268 = tpu.vector_load %arg7[%parallel_loop3A_267] {strides = array<i32>} : memref<1040xf32, #tpu.memory_space<vmem>>, vector<16xf32>,
          tpu.vector_store %arg7[%parallel_loop3A_267], %parallel_loop3A_264 {strides = array<i32>} : memref<1040xf32, #tpu.memory_space<vmem>>, vector<16xf32>,
        } {sc.loop_unroll_factor = 4 : i64, sc.parallel_access}
        %parallel_loop3A_197 = arith.constant 0 : i32
        %parallel_loop3A_198 = arith.constant 63 : i32
        %parallel_loop3A_199 = arith.constant 1 : i32
        scf.for %parallel_loop3A_220 = %parallel_loop3A_197 to %parallel_loop3A_198 step %parallel_loop3A_199  : i32 {
          %parallel_loop3A_221 = arith.constant 16 : i32
          %parallel_loop3A_222 = arith.muli %parallel_loop3A_220, %parallel_loop3A_221 : i32
          %parallel_loop3A_223 = vector.broadcast %parallel_loop3A_222 : i32 to vector<16xi32>
          %parallel_loop3A_224 = arith.addi %iota3A, %parallel_loop3A_223 : vector<16xi32>
          %parallel_loop3A_225 = arith.index_cast %parallel_loop3A_222 : i32 to index
          %parallel_loop3A_226 = tpu.vector_load %arg6[%parallel_loop3A_225] {strides = array<i32>} : memref<1040xf32, #tpu.memory_space<vmem>>, vector<16xf32>,
          %parallel_loop3A_227 = arith.constant 1 : i32
          %parallel_loop3A_228 = arith.addi %parallel_loop3A_222, %parallel_loop3A_227 : i32
          %parallel_loop3A_229 = arith.index_cast %parallel_loop3A_228 : i32 to index
          %parallel_loop3A_230 = tpu.vector_load %arg6[%parallel_loop3A_229] {strides = array<i32>} : memref<1040xf32, #tpu.memory_space<vmem>>, vector<16xf32>,
          %parallel_loop3A_231 = arith.index_cast %parallel_loop3A_222 : i32 to index
          %parallel_loop3A_232 = tpu.vector_load %arg7[%parallel_loop3A_231] {strides = array<i32>} : memref<1040xf32, #tpu.memory_space<vmem>>, vector<16xf32>,
          %parallel_loop3A_233 = arith.constant 1 : i32
          %parallel_loop3A_234 = arith.addi %parallel_loop3A_222, %parallel_loop3A_233 : i32
          %parallel_loop3A_235 = arith.index_cast %parallel_loop3A_234 : i32 to index
          %parallel_loop3A_236 = tpu.vector_load %arg7[%parallel_loop3A_235] {strides = array<i32>} : memref<1040xf32, #tpu.memory_space<vmem>>, vector<16xf32>,
          %parallel_loop3A_237 = arith.addf %parallel_loop3A_226, %parallel_loop3A_230 : vector<16xf32>
          %parallel_loop3A_238 = arith.addf %parallel_loop3A_232, %parallel_loop3A_236 : vector<16xf32>
          %parallel_loop3A_239 = arith.constant 0.000000e+00 : f32
          %parallel_loop3A_240 = vector.broadcast %parallel_loop3A_239 : f32 to vector<16xf32>
          %parallel_loop3A_241 = arith.cmpf ogt, %parallel_loop3A_237, %parallel_loop3A_240 : vector<16xf32>
          %parallel_loop3A_242 = arith.divf %parallel_loop3A_238, %parallel_loop3A_237 : vector<16xf32>
          %parallel_loop3A_243 = arith.constant 0.000000e+00 : f32
          %parallel_loop3A_244 = vector.broadcast %parallel_loop3A_243 : f32 to vector<16xf32>
          %parallel_loop3A_245 = arith.select %parallel_loop3A_241, %parallel_loop3A_242, %parallel_loop3A_244 : vector<16xi1>, vector<16xf32>
          tpu.vector_store_idx %arg5[%add3A_158, %add3A_194, %parallel_loop3A_224], %parallel_loop3A_245 : memref<2x8x1023xf32, #tpu.memory_space<vmem>>[vector<16xi32>, vector<16xi32>, vector<16xi32>], vector<16xf32>,
        } {sc.loop_unroll_factor = 4 : i64, sc.parallel_access}
        %add3A_200 = arith.constant 1008 : i32
        %add3A_201 = vector.broadcast %add3A_200 : i32 to vector<16xi32>
        %add3A_202 = arith.addi %iota3A, %add3A_201 : vector<16xi32>
        %get3A = arith.constant 1008 : index
        %get3A_203 = tpu.vector_load %arg6[%get3A] {strides = array<i32>} : memref<1040xf32, #tpu.memory_space<vmem>>, vector<16xf32>,
        %get3A_204 = arith.constant 1009 : index
        %get3A_205 = tpu.vector_load %arg6[%get3A_204] {strides = array<i32>} : memref<1040xf32, #tpu.memory_space<vmem>>, vector<16xf32>,
        %get3A_206 = arith.constant 1008 : index
        %get3A_207 = tpu.vector_load %arg7[%get3A_206] {strides = array<i32>} : memref<1040xf32, #tpu.memory_space<vmem>>, vector<16xf32>,
        %get3A_208 = arith.constant 1009 : index
        %get3A_209 = tpu.vector_load %arg7[%get3A_208] {strides = array<i32>} : memref<1040xf32, #tpu.memory_space<vmem>>, vector<16xf32>,
        %add3A_210 = arith.addf %get3A_203, %get3A_205 : vector<16xf32>
        %add3A_211 = arith.addf %get3A_207, %get3A_209 : vector<16xf32>
        %gt3A_212 = arith.constant 0.000000e+00 : f32
        %gt3A_213 = vector.broadcast %gt3A_212 : f32 to vector<16xf32>
        %gt3A_214 = arith.cmpf ogt, %add3A_210, %gt3A_213 : vector<16xf32>
        %div3A = arith.divf %add3A_211, %add3A_210 : vector<16xf32>
        %jit3A = arith.constant 0.000000e+00 : f32
        %broadcast_in_dim3A_215 = vector.broadcast %jit3A : f32 to vector<16xf32>
        %select_n3A = arith.select %gt3A_214, %div3A, %broadcast_in_dim3A_215 : vector<16xi1>, vector<16xf32>
        %lt3A_216 = arith.constant 15 : i32
        %lt3A_217 = vector.broadcast %lt3A_216 : i32 to vector<16xi32>
        %lt3A_218 = arith.cmpi slt, %iota3A, %lt3A_217 : vector<16xi32>
        tpu.vector_store_idx %arg5[%add3A_158, %add3A_194, %add3A_202], %select_n3A masked %lt3A_218 : memref<2x8x1023xf32, #tpu.memory_space<vmem>>[vector<16xi32>, vector<16xi32>, vector<16xi32>], vector<16xf32>, vector<16xi1>
        %scan3A_219 = arith.constant 0 : i32
        scf.yield %scan3A_219 : i32
      }
      %scan3A_166 = arith.constant 8 : i32
      %add3A_167 = arith.constant 1 : i32
      %add3A_168 = arith.addi %mul3A_83, %add3A_167 : i32
      %mul3A_169 = arith.constant 8 : i32
      %mul3A_170 = arith.muli %add3A_168, %mul3A_169 : i32
      %add3A_171 = arith.addi %mul3A_2, %mul3A_170 : i32
      %dma_start3A_172 = arith.constant 1 : i32
      %dma_start3A_173 = arith.constant 0 : i32
      %dma_start3A_174 = arith.constant 0 : i32
      %dma_start3A_175 = tpu.memref_slice %arg5[%dma_start3A_172, %dma_start3A_173, %dma_start3A_174] : memref<2x8x1023xf32, #tpu.memory_space<vmem>> -> memref<1x8x1023xf32, #tpu.memory_space<vmem>>
      %dma_start3A_176 = tpu.memref_squeeze %dma_start3A_175 : memref<1x8x1023xf32, #tpu.memory_space<vmem>> -> memref<8x1023xf32, #tpu.memory_space<vmem>>
      %dma_start3A_177 = arith.constant 0 : i32
      %dma_start3A_178 = tpu.memref_slice %arg3[%add3A_171, %dma_start3A_177] : memref<6144x1023xf32, #tpu.memory_space<hbm>> -> memref<8x1023xf32, #tpu.memory_space<hbm>>
      %dma_start3A_179 = arith.constant 0 : i32
      %dma_start3A_180 = tpu.memref_slice %arg3[%add3A_171, %dma_start3A_179] : memref<6144x1023xf32, #tpu.memory_space<hbm>> -> memref<8x1023xf32, #tpu.memory_space<hbm>>
      %dma_start3A_181 = arith.constant 0 : i32
      %dma_start3A_182 = arith.constant 0 : i32
      %dma_start3A_183 = tpu.memref_slice %arg5[%dma_start3A_172, %dma_start3A_181, %dma_start3A_182] : memref<2x8x1023xf32, #tpu.memory_space<vmem>> -> memref<1x8x1023xf32, #tpu.memory_space<vmem>>
      %dma_start3A_184 = tpu.memref_squeeze %dma_start3A_183 : memref<1x8x1023xf32, #tpu.memory_space<vmem>> -> memref<8x1023xf32, #tpu.memory_space<vmem>>
      tpu.enqueue_dma source(%dma_start3A_184 : memref<8x1023xf32, #tpu.memory_space<vmem>>) target(%dma_start3A_180 : memref<8x1023xf32, #tpu.memory_space<hbm>>) target_semaphore(%arg11 : memref<!tpu.dma_semaphore, #tpu.memory_space<semaphore_mem>>)
      %lt3A_185 = arith.constant 11 : i32
      %lt3A_186 = arith.cmpi slt, %scan3A_80, %lt3A_185 : i32
      %convert_element_type3A_187 = arith.extui %lt3A_186 : i1 to i32
      %cond3A_188 = arith.constant 0 : i32
      %cond3A_189 = arith.cmpi ne, %convert_element_type3A_187, %cond3A_188 : i32
      scf.if %cond3A_189 {
        %add3A_191 = arith.constant 3 : i32
        %add3A_192 = arith.addi %mul3A_83, %add3A_191 : i32
        %mul3A_193 = arith.constant 8 : i32
        %mul3A_194 = arith.muli %add3A_192, %mul3A_193 : i32
        %add3A_195 = arith.addi %mul3A_2, %mul3A_194 : i32
        %dma_start3A_196 = arith.constant 1 : i32
        %dma_start3A_197 = arith.constant 0 : i32
        %dma_start3A_198 = arith.constant 0 : i32
        %dma_start3A_199 = tpu.memref_slice %arg4[%dma_start3A_196, %dma_start3A_197, %dma_start3A_198] : memref<2x8x4096xf32, #tpu.memory_space<vmem>> -> memref<1x8x4096xf32, #tpu.memory_space<vmem>>
        %dma_start3A_200 = tpu.memref_squeeze %dma_start3A_199 : memref<1x8x4096xf32, #tpu.memory_space<vmem>> -> memref<8x4096xf32, #tpu.memory_space<vmem>>
        %dma_start3A_201 = arith.constant 0 : i32
        %dma_start3A_202 = tpu.memref_slice %arg2[%add3A_195, %dma_start3A_201] : memref<6144x4096xf32, #tpu.memory_space<hbm>> -> memref<8x4096xf32, #tpu.memory_space<hbm>>
        %dma_start3A_203 = arith.constant 0 : i32
        %dma_start3A_204 = arith.constant 0 : i32
        %dma_start3A_205 = tpu.memref_slice %arg4[%dma_start3A_196, %dma_start3A_203, %dma_start3A_204] : memref<2x8x4096xf32, #tpu.memory_space<vmem>> -> memref<1x8x4096xf32, #tpu.memory_space<vmem>>
        %dma_start3A_206 = tpu.memref_squeeze %dma_start3A_205 : memref<1x8x4096xf32, #tpu.memory_space<vmem>> -> memref<8x4096xf32, #tpu.memory_space<vmem>>
        %dma_start3A_207 = arith.constant 0 : i32
        %dma_start3A_208 = tpu.memref_slice %arg2[%add3A_195, %dma_start3A_207] : memref<6144x4096xf32, #tpu.memory_space<hbm>> -> memref<8x4096xf32, #tpu.memory_space<hbm>>
        tpu.enqueue_dma source(%dma_start3A_208 : memref<8x4096xf32, #tpu.memory_space<hbm>>) target(%dma_start3A_206 : memref<8x4096xf32, #tpu.memory_space<vmem>>) target_semaphore(%arg9 : memref<!tpu.dma_semaphore, #tpu.memory_space<semaphore_mem>>)
      } else {
      }
      %scan3A_190 = arith.constant 0 : i32
      scf.yield %scan3A_190 : i32
    }
    %scan3A_50 = arith.constant 12 : i32
    %add3A_51 = arith.constant 176 : i32
    %add3A_52 = arith.addi %mul3A_2, %add3A_51 : i32
    %dma_wait3A = arith.constant 0 : i32
    %dma_wait3A_53 = arith.constant 0 : i32
    %dma_wait3A_54 = arith.constant 0 : i32
    %dma_wait3A_55 = tpu.memref_slice %arg5[%dma_wait3A, %dma_wait3A_53, %dma_wait3A_54] : memref<2x8x1023xf32, #tpu.memory_space<vmem>> -> memref<1x8x1023xf32, #tpu.memory_space<vmem>>
    %dma_wait3A_56 = tpu.memref_squeeze %dma_wait3A_55 : memref<1x8x1023xf32, #tpu.memory_space<vmem>> -> memref<8x1023xf32, #tpu.memory_space<vmem>>
    %dma_wait3A_57 = arith.constant 0 : i32
    %dma_wait3A_58 = tpu.memref_slice %arg3[%add3A_52, %dma_wait3A_57] : memref<6144x1023xf32, #tpu.memory_space<hbm>> -> memref<8x1023xf32, #tpu.memory_space<hbm>>
    %dma_wait3A_59 = arith.constant 0 : i32
    %dma_wait3A_60 = tpu.memref_slice %arg3[%add3A_52, %dma_wait3A_59] : memref<6144x1023xf32, #tpu.memory_space<hbm>> -> memref<8x1023xf32, #tpu.memory_space<hbm>>
    %dma_wait3A_61 = arith.constant 0 : i32
    %dma_wait3A_62 = arith.constant 0 : i32
    %dma_wait3A_63 = tpu.memref_slice %arg5[%dma_wait3A, %dma_wait3A_61, %dma_wait3A_62] : memref<2x8x1023xf32, #tpu.memory_space<vmem>> -> memref<1x8x1023xf32, #tpu.memory_space<vmem>>
    %dma_wait3A_64 = tpu.memref_squeeze %dma_wait3A_63 : memref<1x8x1023xf32, #tpu.memory_space<vmem>> -> memref<8x1023xf32, #tpu.memory_space<vmem>>
    tpu.wait_dma2 semaphore(%arg10 : memref<!tpu.dma_semaphore, #tpu.memory_space<semaphore_mem>>) src(%dma_wait3A_64 : memref<8x1023xf32, #tpu.memory_space<vmem>>) dst(%dma_wait3A_60 : memref<8x1023xf32, #tpu.memory_space<hbm>>)
    %add3A_65 = arith.constant 184 : i32
    %add3A_66 = arith.addi %mul3A_2, %add3A_65 : i32
    %dma_wait3A_67 = arith.constant 1 : i32
    %dma_wait3A_68 = arith.constant 0 : i32
    %dma_wait3A_69 = arith.constant 0 : i32
    %dma_wait3A_70 = tpu.memref_slice %arg5[%dma_wait3A_67, %dma_wait3A_68, %dma_wait3A_69] : memref<2x8x1023xf32, #tpu.memory_space<vmem>> -> memref<1x8x1023xf32, #tpu.memory_space<vmem>>
    %dma_wait3A_71 = tpu.memref_squeeze %dma_wait3A_70 : memref<1x8x1023xf32, #tpu.memory_space<vmem>> -> memref<8x1023xf32, #tpu.memory_space<vmem>>
    %dma_wait3A_72 = arith.constant 0 : i32
    %dma_wait3A_73 = tpu.memref_slice %arg3[%add3A_66, %dma_wait3A_72] : memref<6144x1023xf32, #tpu.memory_space<hbm>> -> memref<8x1023xf32, #tpu.memory_space<hbm>>
    %dma_wait3A_74 = arith.constant 0 : i32
    %dma_wait3A_75 = tpu.memref_slice %arg3[%add3A_66, %dma_wait3A_74] : memref<6144x1023xf32, #tpu.memory_space<hbm>> -> memref<8x1023xf32, #tpu.memory_space<hbm>>
    %dma_wait3A_76 = arith.constant 0 : i32
    %dma_wait3A_77 = arith.constant 0 : i32
    %dma_wait3A_78 = tpu.memref_slice %arg5[%dma_wait3A_67, %dma_wait3A_76, %dma_wait3A_77] : memref<2x8x1023xf32, #tpu.memory_space<vmem>> -> memref<1x8x1023xf32, #tpu.memory_space<vmem>>
    %dma_wait3A_79 = tpu.memref_squeeze %dma_wait3A_78 : memref<1x8x1023xf32, #tpu.memory_space<vmem>> -> memref<8x1023xf32, #tpu.memory_space<vmem>>
    tpu.wait_dma2 semaphore(%arg11 : memref<!tpu.dma_semaphore, #tpu.memory_space<semaphore_mem>>) src(%dma_wait3A_79 : memref<8x1023xf32, #tpu.memory_space<vmem>>) dst(%dma_wait3A_75 : memref<8x1023xf32, #tpu.memory_space<hbm>>)
    return
  }
}

</mosaic_0001>

<sc_bundles>
// kernel: kernel.3.cloned.1.call-start
scs
__scs_entry_jumppad:
0x0: {  	(pc) =	sbr.rel $0x88, $3  }
0x1: {  	(tag) =	ssettag $0x0;
	lr =	simm.s32 $0x1  }
0x2: {  	[smem:$0x3FA0] =	sst lr;
	_ =	strace $0xD0000000  }
0x3: {  	_ = 	snop  }
0x4: {  	_ = 	snop  }
0x5: {  	_ = 	snop  }
0x6: {  	_ = 	snop  }
0x7: {  	_ = 	snop  }
__scs_overlays_trampoline_lowered:
0x8: {  	[smem:$0x3FAF] =	sst s0  }
0x9: {  	[smem:$0x3FB0] =	sst s1  }
0xa: {  	[smem:$0x3FB1] =	sst s2  }
0xb: {  	[smem:$0x3FB2] =	sst s3  }
0xc: {  	[smem:$0x3FB3] =	sst s4  }
0xd: {  	[smem:$0x3FB4] =	sst s5  }
0xe: {  	[smem:$0x3FB5] =	sst s6  }
0xf: {  	[smem:$0x3FB6] =	sst s7  }
0x10: {  	[smem:$0x3FB7] =	sst s8  }
0x11: {  	[smem:$0x3FB8] =	sst s9;
	s0 =	simm.s32 @!p0 $0x0  }
0x12: {  	s1 =	sld [smem:$0x3F9E];
	s0 =	simm.s32 @p0 $0x1  }
0x13: {  	[smem:$0x3FB9] =	sst s0;
	s0 =	simm.s32 @!p1 $0x0  }
0x14: {  	s2 =	sld [smem:$0x3F9D];
	s0 =	simm.s32 @p1 $0x1  }
0x15: {  	[smem:$0x3FBA] =	sst s0;
	s0 =	simm.s32 @!p2 $0x0  }
0x16: {  	s3 =	sld [smem:$0x3FDB];
	s0 =	simm.s32 @p2 $0x1  }
0x17: {  	s4 =	simm.s32 $0x1BF5;
	[smem:$0x3FBC] =	sst s0  }
0x18: {  	s0 =	sld [smem:$0x3F9F];
	_ =	swait.ge [sflag:s4], $0x0  }
0x19: {  	s7 =	sld [smem:$0x3FA0]  }
0x1a: {  	s8 =	sadd.s32 $0xFFFFE003, lr  }
0x1b: {  	s9 =	sadd.s32 $0xFFFFFEF7, lr;
	s5 =	simm.s32 $0xFFFFFFFF;
	p2 =	slt.u32 s8, $0xFFFFF086  }
0x1c: {  	p1 =	slt.u32 s9, $0xF7A;
	s5 =	simm.s32 @!p2 $0x0  }
0x1d: {  	s5 =	simm.s32 @p1 $0x1;
	p0 =	seq.s32 s7, s2  }
0x1e: {  	s7 =	smul.u32 @!p0 $0xF7A, s2;
	p2 =	seq.s32 @!p0 s5, $0x0  }
0x1f: {  	s9 =	smul.u32 $0xF7A, s1;
	s8 =	simm.s32 @!p0 $0x1BF5;
	p2 =	por !p2, p0  }
0x20: {  	[sflag:s8] =	ssyncset.s32 @!p0 $0xFFFFF086;
	s6 =	sadd.s32 @!p0 s3, s7;
	s7 =	simm.s32 @!p0 $0x108  }
0x21: {  	s3 =	sadd.s32 s3, s9;
	s6 =	sadd.s32 @!p0 $0x88, s6;
	s7 =	simm.s32 @p2 $0x1082  }
0x22: {  	[simem:s7], [sflag:s8] =	dma.local @!p0 [hbm:s6], $0xF7A  }
0x23: {  	s9 =	sor.u32 $0xD0000000, s2;
	s6 =	simm.s32 $0x108;
	_ =	swait.ge @!p0 [sflag:s8], $0x0  }
0x24: {  	s3 =	sadd.s32 $0x88, s3;
	s6 =	simm.s32 @!p1 $0x1082;
	[sflag:s4] =	ssyncset.s32 $0xFFFFF086  }
0x25: {  	[simem:s6], [sflag:s4] =	dma.local [hbm:s3], $0xF7A  }
0x26: {  	[smem:$0x3FA0] =	sst s1;
	(tag) =	ssettag s2;
	_ =	strace s9  }
0x27: {  	s1 =	sld [smem:$0x3FB0]  }
0x28: {  	s2 =	sld [smem:$0x3FB1]  }
0x29: {  	s4 =	sld [smem:$0x3FB3]  }
0x2a: {  	p0 =	seq.s32 s5, $0x0;
	s5 =	sld [smem:$0x3FB4]  }
0x2b: {  	s6 =	sld [smem:$0x3FB5]  }
0x2c: {  	s7 =	sld [smem:$0x3FB6]  }
0x2d: {  	s3 =	simm.s32 $0x108;
	s8 =	sld [smem:$0x3FB7]  }
0x2e: {  	s3 =	simm.s32 @!p0 $0x1082;
	s9 =	sld [smem:$0x3FB8]  }
0x2f: {  	lr =	sadd.s32 s0, s3;
	s0 =	sld [smem:$0x3FAF]  }
0x30: {  	s3 =	sld [smem:$0x3FB2]  }
0x31: {  	[smem:$0x3FBB] =	sst s10  }
0x32: {  	s10 =	sld [smem:$0x3FB9];
	_ =	sdelay $0x3  }
0x33: {  	p0 =	seq.s32 s10, $0x1;
	s10 =	sld [smem:$0x3FBB];
	_ =	sdelay $0x3  }
0x34: {  	[smem:$0x3FBB] =	sst s10  }
0x35: {  	s10 =	sld [smem:$0x3FBA];
	_ =	sdelay $0x3  }
0x36: {  	p1 =	seq.s32 s10, $0x1;
	s10 =	sld [smem:$0x3FBB];
	_ =	sdelay $0x3  }
0x37: {  	[smem:$0x3FBB] =	sst s10  }
0x38: {  	s10 =	sld [smem:$0x3FBC]  }
0x39: {  	_ = 	snop;
	(pc) =	sbr.ind lr, $3  }
0x3a: {  	_ = 	snop  }
0x3b: {  	_ = 	snop  }
0x3c: {  	p2 =	seq.s32 s10, $0x1;
	s10 =	sld [smem:$0x3FBB]  }
0x3d: {  	_ =	shalt  }
0x3e: {  	_ =	shalt  }
0x3f: {  	_ =	shalt  }
0x40: {  	_ =	shalt  }
0x41: {  	_ =	shalt  }
0x42: {  	_ =	shalt  }
0x43: {  	_ =	shalt  }
0x44: {  	_ =	shalt  }
0x45: {  	_ =	shalt  }
0x46: {  	_ =	shalt  }
0x47: {  	_ =	shalt  }
0x48: {  	_ =	shalt  }
0x49: {  	_ =	shalt  }
0x4a: {  	_ =	shalt  }
0x4b: {  	_ =	shalt  }
0x4c: {  	_ =	shalt  }
0x4d: {  	_ =	shalt  }
0x4e: {  	_ =	shalt  }
0x4f: {  	_ =	shalt  }
0x50: {  	_ =	shalt  }
0x51: {  	_ =	shalt  }
0x52: {  	_ =	shalt  }
0x53: {  	_ =	shalt  }
0x54: {  	_ =	shalt  }
0x55: {  	_ =	shalt  }
0x56: {  	_ =	shalt  }
0x57: {  	_ =	shalt  }
0x58: {  	_ =	shalt  }
0x59: {  	_ =	shalt  }
0x5a: {  	_ =	shalt  }
0x5b: {  	_ =	shalt  }
0x5c: {  	_ =	shalt  }
0x5d: {  	_ =	shalt  }
0x5e: {  	_ =	shalt  }
0x5f: {  	_ =	shalt  }
0x60: {  	_ =	shalt  }
0x61: {  	_ =	shalt  }
0x62: {  	_ =	shalt  }
0x63: {  	_ =	shalt  }
0x64: {  	_ =	shalt  }
0x65: {  	_ =	shalt  }
0x66: {  	_ =	shalt  }
0x67: {  	_ =	shalt  }
0x68: {  	_ =	shalt  }
0x69: {  	_ =	shalt  }
0x6a: {  	_ =	shalt  }
0x6b: {  	_ =	shalt  }
0x6c: {  	_ =	shalt  }
0x6d: {  	_ =	shalt  }
0x6e: {  	_ =	shalt  }
0x6f: {  	_ =	shalt  }
0x70: {  	_ =	shalt  }
0x71: {  	_ =	shalt  }
0x72: {  	_ =	shalt  }
0x73: {  	_ =	shalt  }
0x74: {  	_ =	shalt  }
0x75: {  	_ =	shalt  }
0x76: {  	_ =	shalt  }
0x77: {  	_ =	shalt  }
0x78: {  	_ =	shalt  }
0x79: {  	_ =	shalt  }
0x7a: {  	_ =	shalt  }
0x7b: {  	_ =	shalt  }
0x7c: {  	_ =	shalt  }
0x7d: {  	_ =	shalt  }
0x7e: {  	_ =	shalt  }
0x7f: {  	_ =	shalt  }
0x80: {  	_ =	shalt  }
0x81: {  	_ =	shalt  }
0x82: {  	_ =	shalt  }
0x83: {  	_ =	shalt  }
0x84: {  	_ =	shalt  }
0x85: {  	_ =	shalt  }
0x86: {  	_ =	shalt  }
0x87: {  	_ =	shalt  }
.Lfunc_end0:
.L_simem_size_0:
called_computation_lowered:
.L_overlay_start_0:
0x88: {  	s2 =	sld [smem:$0x3FD9]  }
0x89: {  	s3 =	sld [smem:$0x3FFE];
	_ =	sdelay $0x1  }
0x8a: {  	s1 =	srdreg.scid  }
0x8b: {  	s0 =	sand.u32 $0x1, s1  }
0x8c: {  	s17 =	sshll.u32 s0, $0xA;
	s2 =	sadd.s32 s3, s2  }
0x8d: {  	s2 =	sadd.s32 s2, s17  }
0x8e: {  	[smem:$0x3FC7] =	sst s2  }
0x8f: {  	_ = 	snop  }
0x90: {  	s2 =	sld [smem:$0x3FC9];
	(tm) =	ssettm $0x1  }
0x91: {  	s18 =	sld [smem:$0x3FFB];
	_ =	sdelay $0x3  }
0x92: {  	_ =	strace s18  }
0x93: {  	s3 =	sld [smem:$0x3FFC];
	_ =	sdelay $0x3  }
0x94: {  	_ =	strace s3  }
0x95: {  	s3 =	sld [smem:$0x3FFD];
	_ =	sdelay $0x3  }
0x96: {  	_ =	strace s3  }
0x97: {  	_ =	strace $0x8FFFFFFF  }
0x98: {  	s19 =	sld [smem:$0x3FDB];
	_ =	sdelay $0x1  }
0x99: {  	s4 =	simm.s32 $_scs_section_size  }
0x9a: {  	s5 =	simm.s32 $_size__tile_overlayer_lowered;
	s6 =	simm.s32 $_tile_overlayer_lowered  }
0x9b: {  	s22 =	simm.s32 $0x1BFF;
	s21 =	sshll.u32 s6, $0x1;
	s3 =	sadd.s32 s4, s19  }
0x9c: {  	s7 =	simm.s32 $0x0;
	s20 =	sshll.u32 s5, $0x1;
	s5 =	sadd.s32 s21, s3  }
0x9d: {  	[timem:s7], [sflag:s22] =	dma.local [hbm:s5], s20  }
0x9e: {  	_ =	swait.ge [sflag:s22], s20  }
0x9f: {  	s4 =	ssub.s32 $0x0, s20;
	[sflag:s22] =	ssyncset.done $0x0  }
0xa0: {  	[sflag:s22] =	ssyncadd.s32 s4;
	_ =	sdelay $0x1  }
0xa1: {  	s23 =	simm.s32 $0x1B8B  }
0xa2: {  	_ =	swait.ge [sflag:s23], $0x1  }
0xa3: {  	[sflag:s23] =	ssyncset.done $0x0  }
0xa4: {  	s25 =	simm.s32 $0x1B8E;
	s24 =	sld [smem:$0x3FFE];
	[sflag:s23] =	ssyncadd.s32 $0xFFFFFFFF  }
0xa5: {  	s26 =	simm.s32 $execute0_lowered;
	[smem:$0x3FD2] =	sst s25  }
0xa6: {  	s5 =	sshll.u32 s26, $0x1;
	_ =	strace $0x80000046;
	[dreg:$0x1] =	wrdreg $0xFFFFFFFF  }
0xa7: {  	s28 =	simm.s32 $_size_execute0_lowered;
	s3 =	sadd.s32 s3, s5;
	[dreg:$0x0] =	wrdreg $0x0  }
0xa8: {  	s5 =	sshll.u32 s28, $0x1;
	[dreg:$0x2] =	wrdreg s3  }
0xa9: {  	[dreg:$0x3] =	wrdreg s5  }
0xaa: {  	[dreg:$0x4] =	wrdreg $0xC0  }
0xab: {  	_ =	task [dreg:s7], $0x5FFFF  }
0xac: {  	[dreg:$0x1] =	wrdreg $0xFFFFFFFF  }
0xad: {  	[dreg:$0x0] =	wrdreg $0x60  }
0xae: {  	[dreg:$0x2] =	wrdreg s2  }
0xaf: {  	[dreg:$0x3] =	wrdreg s24  }
0xb0: {  	[dreg:$0x4] =	wrdreg $0x9  }
0xb1: {  	_ =	task.clear_ibuf [dreg:s7], $0x5FFFF;
	_ =	strace $0x90000046  }
0xb2: {  	s29 =	simm.s32 $0x9;
	_ =	strace $0x80000048  }
0xb3: {  	_ =	swait.ge [sflag:s29], $0x1  }
0xb4: {  	[sflag:s29] =	ssyncadd.s32 $0xFFFFFFFF  }
0xb5: {  	_ =	strace $0x90000048  }
0xb6: {  	_ =	sfence  }
0xb7: {  	s30 =	sld [smem:$0x0];
	_ =	sdelay $0x2  }
0xb8: {  	s31 =	sshll.u32 s1, $0xD;
	s1 =	sshrl.u32 s1, $0x2  }
0xb9: {  	s3 =	sand.u32 $0x4000, s31;
	s1 =	sadd.s32 s1, s30  }
0xba: {  	s0 =	sor.u32 s3, s0;
	s1 =	sshll.u32 s1, $0x11  }
0xbb: {  	s0 =	sor.u32 s1, s0  }
0xbc: {  	s0 =	sadd.s32 $0x8F2B, s0  }
0xbd: {  	[sflag:s0] =	ssyncadd.remote.s32 $0x1  }
0xbe: {  	_ =	sfence.sel $0xFFFF  }
0xbf: {  	[dreg:$0x0] =	wrdreg $0xFFFFFFFF;
	(pc) =	sbr.abs _section_cstart, $3  }
0xc0: {  	[dreg:$0x1] =	wrdreg $0xFFFFFFFF  }
0xc1: {  	_ =	task.clear_ibuf [dreg:s7], $0x2FFFF;
	_ =	strace $0x9FFFFFFF  }
0xc2: {  	(tm) =	ssettm $0x7FFFFFFF  }
0xc3: {  	_ =	shalt  }
tec
execute0_lowered:
.L_overlay_start_1:
0x0: {  	(tag) =	ssettag $0x1  }
0x1: {  	s2 =	rddreg [dreg:$0x0];
	s1 =	srdreg.scid  }
0x2: {  	s0 =	stileid.u32;
	s4 =	rddreg [dreg:$0x1]  }
0x3: {  	s3 =	simm.s32 $0x0;
	s12 =	simm.s32 $0x8000;
	s13 =	simm.s32 $0x1  }
0x4: {  	s14 =	simm.s32 $0x10000;
	s15 =	simm.s32 $0x2;
	s16 =	simm.s32 $0x12000  }
0x5: {  	s17 =	simm.s32 $0x3;
	s1 =	sand.u32 $0x1, s1;
	s5 =	sshll.u32 s0, $0x1  }
0x6: {  	s18 =	simm.s32 $0x4;
	s19 =	simm.s32 $0x0;
	s7 =	sor.u32 s1, s5  }
0x7: {  	v0 =	vlaneseq.u32;
	[smem:$0x7FF] =	sst s3;
	s1 =	ssub.s32 $0x2, s1;
	s5 =	smul.u32 $0x18000, s7  }
.Ltmp0:
0x8: {  	s4 =	sadd.s32 $0x400, s4;
	v1 =	vmul.u32 $0x4, v0;
	s6 =	sshrl.u32 s1, $0x1;
	(pc) =	sbr.rel .LBB2_1-.Ltmp0, $4  }
0x9: {  	_ =	strace $0x80000047;
	s10 =	smul.u32 $0xC0, s7;
	s1 =	ssub.s32 s1, s6  }
0xa: {  	v9 =	vor.u32 $0x1C70, v0;
	s7 =	smul.u32 $0x30000, s7;
	v2 =	vor.u32 $0x1, v1;
	s5 =	sadd.s32 s2, s5;
	s31 =	smax.u32 s1, $0x1  }
0xb: {  	v3 =	vor.u32 $0x2, v1;
	v4 =	vor.u32 $0x3, v1;
	v5 =	vor.u32 $0x40, v1;
	s8 =	sor.u32 $0x10, s10;
	s30 =	sadd.s32 $0x1000, s5;
	[dreg:$0x4] =	wrdreg s31  }
0xc: {  	v6 =	vor.u32 $0x41, v1;
	v7 =	vor.u32 $0x42, v1;
	v8 =	vor.u32 $0x43, v1;
	s9 =	sor.u32 $0x8, s10;
	s10 =	sor.u32 $0x18, s10;
	[dreg:$0x3] =	wrdreg s30  }
.LBB2_20:
0xd: {  	_ =	swait.ge [sflag:s17], $0x2000  }
0xe: {  	[sflag:s17] =	ssyncset.done $0x0  }
0xf: {  	[sflag:s17] =	ssyncadd.s32 $0xFFFFE000  }
0x10: {  	_ =	swait.ge [sflag:s18], $0x2000  }
0x11: {  	s19 =	sadd.s32 $0x1, s19;
	s0 =	rddreg [dreg:$0x4]  }
0x12: {  	p0 =	sne.s32 s19, s0  }
.Ltmp1:
0x13: {  	_ = 	snop;
	(pc) =	sbr.rel @!p0 .LBB2_21-.Ltmp1, $3  }
0x14: {  	_ =	sdelay $0x1  }
0x15: {  	[sflag:s18] =	ssyncset.done $0x0  }
0x16: {  	[sflag:s18] =	ssyncadd.s32 $0xFFFFE000  }
.LBB2_1:
0x17: {  	[tilespmem:s3], [sflag:$0x1] =	stream.linear.gather [hbm4b:s5+s3], $0x8000, $0x38;
	[tilespmem:$0x14900] =	vst v63  }
0x18: {  	s0 =	rddreg [dreg:$0x3];
	s20 =	simm.s32 $0x0  }
0x19: {  	[tilespmem:s12], [sflag:$0x2] =	stream.linear.gather [hbm4b:s0+s3], $0x8000, $0x38;
	[tilespmem:$0x14900] =	vst v63  }
.LBB2_2:
0x1a: {  	_ =	swait.ge [sflag:s13], $0x8000  }
0x1b: {  	p1 =	seq.s32 s20, $0x0;
	[sflag:s13] =	ssyncset.done $0x0  }
0x1c: {  	s1 =	simm.s32 @!p1 $0x3;
	[sflag:s13] =	ssyncadd.s32 $0xFFFF8000  }
0x1d: {  	_ =	swait.ge @!p1 [sflag:s1], $0x2000  }
0x1e: {  	s21 =	sshll.u32 s20, $0x4;
	[sflag:s1] =	ssyncset.done @!p1 $0x0  }
0x1f: {  	s22 =	simm.s32 $0x0;
	s23 =	simm.s32 $0x0;
	[sflag:s1] =	ssyncadd.s32 @!p1 $0xFFFFE000  }
.LBB2_3:
0x20: {  	v11 =	vmov s23;
	v14 =	vmov s22  }
0x21: {  	v11 =	vshll.u32 v11, $0x7;
	v14 =	vshll.u32 v14, $0x3  }
0x22: {  	s24 =	simm.s32 $0x80;
	v14 =	vor.u32 v11, v14  }
0x23: {  	v16 =	vmov s24;
	v14 =	vbroadcast v14, $0x0  }
0x24: {  	v16 =	vshll.u32 v16, $0x3  }
0x25: {  	s1 =	simm.s32 $0x40;
	v16 =	vor.u32 v11, v16;
	v19 =	vor.u32 v3, v14  }
0x26: {  	v10 =	vmov s1;
	v16 =	vbroadcast v16, $0x0;
	v24 =	vor.u32 v1, v14  }
0x27: {  	s11 =	simm.s32 $0xC0;
	v10 =	vshll.u32 v10, $0x3;
	v21 =	vor.u32 v4, v14;
	v14 =	vor.u32 v2, v14  }
0x28: {  	v12 =	vmov s11;
	v10 =	vand.u32 $0x7800, v10;
	v20 =	vor.u32 v3, v16  }
0x29: {  	v12 =	vshll.u32 v12, $0x3;
	v10 =	vor.u32 v11, v10;
	v22 =	vor.u32 v1, v16  }
0x2a: {  	v10 =	vbroadcast v10, $0x0;
	v23 =	vor.u32 v2, v16;
	v16 =	vor.u32 v4, v16;
	v19 =	vld.idx.msk [tilespmem:v19+s22+$0x0], $0xffff  }
0x2b: {  	v12 =	vand.u32 $0x7C00, v12;
	v24 =	vld.idx.msk [tilespmem:v24+s22+$0x0], $0xffff  }
0x2c: {  	v12 =	vor.u32 v11, v12;
	v13 =	vor.u32 v5, v10;
	v14 =	vld.idx.msk [tilespmem:v14+s22+$0x0], $0xffff  }
0x2d: {  	v12 =	vbroadcast v12, $0x0;
	v15 =	vor.u32 v6, v10;
	v20 =	vld.idx.msk [tilespmem:v20+s22+$0x0], $0xffff  }
0x2e: {  	s24 =	simm.s32 $0x1C0;
	v17 =	vor.u32 v8, v10;
	v22 =	vld.idx.msk [tilespmem:v22+s22+$0x0], $0xffff  }
0x2f: {  	v31 =	vmov s24;
	v18 =	vor.u32 v6, v12;
	v16 =	vld.idx.msk [tilespmem:v16+s22+$0x0], $0xffff  }
0x30: {  	v31 =	vshll.u32 v31, $0x3;
	v10 =	vor.u32 v7, v10;
	v23 =	vld.idx.msk [tilespmem:v23+s22+$0x0], $0xffff  }
0x31: {  	v31 =	vand.u32 $0x7C00, v31;
	v25 =	vor.u32 v5, v12;
	v13 =	vld.idx.msk [tilespmem:v13+s22+$0x0], $0xffff  }
0x32: {  	s26 =	simm.s32 $0x180;
	v31 =	vor.u32 v11, v31;
	v26 =	vor.u32 v7, v12;
	v12 =	vor.u32 v8, v12;
	v15 =	vld.idx.msk [tilespmem:v15+s22+$0x0], $0xffff  }
0x33: {  	v34 =	vmov s26;
	v31 =	vbroadcast v31, $0x0;
	v17 =	vld.idx.msk [tilespmem:v17+s22+$0x0], $0xffff  }
0x34: {  	v18 =	vld.idx.msk [tilespmem:v18+s22+$0x0], $0xffff;
	v32 =	vmul.f32 v19, v19;
	v62 =	vadd.f32 v14, v24;
	v14 =	vmul.f32 v14, v14  }
0x35: {  	v10 =	vld.idx.msk [tilespmem:v10+s22+$0x0], $0xffff;
	v33 =	vmul.f32 v20, v20;
	v37 =	vmul.f32 v16, v16;
	v39 =	vadd.f32 v23, v22  }
0x36: {  	v25 =	vld.idx.msk [tilespmem:v25+s22+$0x0], $0xffff;
	v22 =	vmul.f32 v22, v22;
	v41 =	vadd.f32 v16, v20;
	v20 =	vmul.f32 v23, v23  }
0x37: {  	v34 =	vshll.u32 v34, $0x3;
	v12 =	vld.idx.msk [tilespmem:v12+s22+$0x0], $0xffff;
	v27 =	vmul.f32 v15, v15;
	v28 =	vmul.f32 v13, v13  }
0x38: {  	s25 =	simm.s32 $0x140;
	v26 =	vld.idx.msk [tilespmem:v26+s22+$0x0], $0xffff;
	v23 =	vor.u32 v6, v31;
	v29 =	vmul.f32 v17, v17;
	v13 =	vadd.f32 v15, v13  }
0x39: {  	s28 =	simm.s32 $0x100;
	v30 =	vmul.f32 v18, v18;
	v27 =	vadd.f32 v27, v28;
	v28 =	vmov s25  }
0x3a: {  	v15 =	vld.idx.msk [tilespmem:v21+s22+$0x0], $0xffff;
	v21 =	vmov s28;
	v17 =	vadd.f32 v17, v10;
	v28 =	vshll.u32 v28, $0x3  }
0x3b: {  	v10 =	vmul.f32 v10, v10;
	v40 =	vadd.f32 v18, v25;
	v28 =	vand.u32 $0x7800, v28  }
0x3c: {  	v18 =	vor.u32 v11, v34;
	v42 =	vmul.f32 v12, v12;
	v28 =	vor.u32 v11, v28  }
0x3d: {  	v12 =	vadd.f32 v12, v26;
	v21 =	vshll.u32 v21, $0x3;
	v28 =	vbroadcast v28, $0x0  }
0x3e: {  	v45 =	vmul.f32 v26, v26;
	v16 =	vor.u32 v11, v21;
	v21 =	vbroadcast v18, $0x0  }
0x3f: {  	v10 =	vadd.f32 v29, v10;
	v13 =	vadd.f32 v17, v13;
	v29 =	vor.u32 v5, v28  }
0x40: {  	v61 =	vbroadcast v16, $0x0;
	v17 =	vor.u32 v3, v21;
	v36 =	vor.u32 v6, v28  }
0x41: {  	v35 =	vmul.f32 v15, v15;
	v19 =	vadd.f32 v15, v19;
	v15 =	vmul.f32 v24, v24  }
0x42: {  	s30 =	simm.s32 $0x0;
	v10 =	vadd.f32 v10, v27;
	v44 =	vor.u32 v1, v21;
	v38 =	vor.u32 v8, v28  }
0x43: {  	[tilespmem:s30+$0x14010] =	vst v13;
	v13 =	vor.u32 v1, v61;
	v47 =	vadd.f32 v14, v15;
	v15 =	vld.idx.msk [tilespmem:v23+s22+$0x0], $0xffff  }
0x44: {  	v24 =	vmul.f32 v25, v25;
	v26 =	vor.u32 v3, v61;
	v28 =	vor.u32 v7, v28;
	v43 =	vld.idx.msk [tilespmem:v29+s22+$0x0], $0xffff  }
0x45: {  	v46 =	vor.u32 v4, v61;
	v25 =	vor.u32 v5, v31;
	[tilespmem:s30+$0x14490] =	vst v10;
	v36 =	vld.idx.msk [tilespmem:v36+s22+$0x0], $0xffff  }
0x46: {  	v10 =	vadd.f32 v20, v22;
	v22 =	vadd.f32 v37, v33;
	v23 =	vor.u32 v7, v31;
	v14 =	vld.idx.msk [tilespmem:v17+s22+$0x0], $0xffff  }
0x47: {  	v48 =	vadd.f32 v35, v32;
	v30 =	vadd.f32 v30, v24;
	v24 =	vor.u32 v8, v31;
	v16 =	vld.idx.msk [tilespmem:v38+s22+$0x0], $0xffff  }
0x48: {  	v63 =	vadd.f32 v19, v62;
	v31 =	vadd.f32 v12, v40;
	v13 =	vld.idx.msk [tilespmem:v13+s22+$0x0], $0xffff;
	v29 =	vor.u32 v4, v21  }
0x49: {  	v18 =	vor.u32 v2, v21;
	v32 =	vadd.f32 v41, v39;
	v33 =	vadd.f32 v48, v47;
	v27 =	vld.idx.msk [tilespmem:v28+s22+$0x0], $0xffff  }
0x4a: {  	[tilespmem:s30+$0x14000] =	vst v63;
	v19 =	vld.idx.msk [tilespmem:v26+s22+$0x0], $0xffff;
	v26 =	vadd.f32 v22, v10;
	v10 =	vbroadcast v11, $0x0;
	v17 =	vadd.f32 v36, v43  }
0x4b: {  	s29 =	simm.s32 $0x14020;
	s31 =	simm.s32 $0x4;
	s1 =	simm.s32 $0x200;
	v22 =	vld.idx.msk [tilespmem:v46+s22+$0x0], $0xffff;
	v34 =	vmul.f32 v36, v36;
	v35 =	vmul.f32 v43, v43;
	v36 =	vadd.f32 v42, v45  }
0x4c: {  	s26 =	simm.s32 $0x0;
	s24 =	simm.s32 $0x0;
	s25 =	simm.s32 $0x144A0;
	v12 =	vmul.f32 v15, v15;
	v21 =	vor.u32 v2, v61;
	v28 =	vld.idx.msk [tilespmem:v44+s22+$0x0], $0xffff;
	v20 =	vmul.f32 v16, v16  }
.LBB2_4:
0x4d: {  	v37 =	vmov s1;
	s0 =	sadd.s32 $0x40, s1;
	s6 =	sadd.s32 $0x80, s1;
	s11 =	sadd.s32 $0xC0, s1;
	v34 =	vadd.f32 v34, v35;
	v29 =	vld.idx.msk [tilespmem:v29+s26+$0x0], $0xffff;
	[tilespmem:s30+$0x14030] =	vst v31;
	v30 =	vadd.f32 v36, v30  }
0x4e: {  	s31 =	sadd.s32 $0x4, s31;
	v16 =	vadd.f32 v16, v27;
	v31 =	vmov s0;
	v35 =	vmov s11;
	v25 =	vld.idx.msk [tilespmem:v25+s26+$0x0], $0xffff;
	[tilespmem:s30+$0x14020] =	vst v32  }
0x4f: {  	v27 =	vmul.f32 v27, v27;
	p0 =	slt.u32 s31, $0x3C;
	v31 =	vshll.u32 v31, $0x3;
	v32 =	vshll.u32 v35, $0x3;
	v18 =	vld.idx.msk [tilespmem:v18+s26+$0x0], $0xffff;
	[tilespmem:s30+$0x14480] =	vst v33  }
0x50: {  	v33 =	vmul.f32 v19, v19;
	v31 =	vand.u32 $0x7800, v31;
	v32 =	vand.u32 $0x7C00, v32;
	v23 =	vld.idx.msk [tilespmem:v23+s26+$0x0], $0xffff;
	[tilespmem:s30+$0x144A0] =	vst v26  }
0x51: {  	v26 =	vor.u32 v11, v31;
	v31 =	vor.u32 v11, v32;
	v21 =	vld.idx.msk [tilespmem:v21+s26+$0x0], $0xffff;
	v32 =	vmul.f32 v14, v14  }
0x52: {  	v35 =	vmov s6;
	v36 =	vmul.f32 v22, v22;
	v26 =	vbroadcast v26, $0x0;
	v24 =	vld.idx.msk [tilespmem:v24+s26+$0x0], $0xffff;
	[tilespmem:s30+$0x144B0] =	vst v30  }
0x53: {  	v20 =	vadd.f32 v20, v27;
	v35 =	vshll.u32 v35, $0x3;
	v30 =	vshll.u32 v37, $0x3  }
0x54: {  	v38 =	vmul.f32 v29, v29;
	v27 =	vor.u32 v5, v26;
	v37 =	vor.u32 v6, v26  }
0x55: {  	v31 =	vbroadcast v31, $0x0;
	v39 =	vor.u32 v8, v26;
	v40 =	vadd.f32 v18, v28  }
0x56: {  	v41 =	vadd.f32 v15, v25;
	v26 =	vor.u32 v7, v26;
	v28 =	vmul.f32 v28, v28  }
0x57: {  	v19 =	vadd.f32 v22, v19;
	v42 =	vadd.f32 v29, v14;
	v15 =	vmul.f32 v13, v13  }
0x58: {  	v22 =	vor.u32 v11, v35;
	s26 =	simm.s32 $0x0;
	v14 =	vor.u32 v11, v30;
	v30 =	vmul.f32 v18, v18  }
0x59: {  	v22 =	vbroadcast v22, $0x0;
	v43 =	vmul.f32 v24, v24;
	v35 =	vld.idx.msk [tilespmem:v27+s26+$0x0], $0xffff;
	v27 =	vor.u32 v6, v31  }
0x5a: {  	v17 =	vadd.f32 v16, v17;
	v14 =	vbroadcast v14, $0x0;
	v44 =	vadd.f32 v24, v23  }
0x5b: {  	s30 =	sshra.s32 s28, $0x2;
	s28 =	smov.u32 s1;
	v24 =	vor.u32 v3, v22;
	v16 =	vld.idx.msk [tilespmem:v39+s26+$0x0], $0xffff;
	v39 =	vadd.f32 v21, v13;
	v13 =	vadd.f32 v20, v34  }
0x5c: {  	v45 =	vor.u32 v1, v22;
	v18 =	vor.u32 v2, v22;
	v20 =	vmul.f32 v21, v21;
	[tilespmem:s30+$0x14010] =	vst v17  }
0x5d: {  	v46 =	vmul.f32 v23, v23;
	v17 =	vor.u32 v1, v14;
	v34 =	vld.idx.msk [tilespmem:v37+s26+$0x0], $0xffff;
	v37 =	vmul.f32 v25, v25  }
0x5e: {  	v47 =	vor.u32 v3, v14;
	v48 =	vor.u32 v4, v14;
	v49 =	vadd.f32 v20, v15;
	[tilespmem:s30+$0x14490] =	vst v13  }
0x5f: {  	v29 =	vor.u32 v4, v22;
	v22 =	vadd.f32 v30, v28;
	v25 =	vor.u32 v5, v31;
	v15 =	vld.idx.msk [tilespmem:v27+s26+$0x0], $0xffff  }
0x60: {  	v33 =	vadd.f32 v36, v33;
	v23 =	vor.u32 v7, v31;
	v21 =	vor.u32 v2, v14;
	v14 =	vld.idx.msk [tilespmem:v24+s26+$0x0], $0xffff  }
.Ltmp2:
0x61: {  	v30 =	vadd.f32 v12, v37;
	v20 =	vmul.f32 v16, v16;
	v27 =	vld.idx.msk [tilespmem:v26+s26+$0x0], $0xffff;
	v26 =	vadd.f32 v38, v32;
	(pc) =	sbr.rel @p0 .LBB2_4-.Ltmp2, $4  }
0x62: {  	v37 =	vadd.f32 v19, v39;
	v24 =	vor.u32 v8, v31;
	v31 =	vadd.f32 v44, v41;
	v13 =	vld.idx.msk [tilespmem:v17+s26+$0x0], $0xffff  }
0x63: {  	v17 =	vadd.f32 v34, v35;
	v34 =	vmul.f32 v34, v34;
	v19 =	vld.idx.msk [tilespmem:v47+s26+$0x0], $0xffff;
	v26 =	vadd.f32 v26, v22  }
0x64: {  	v36 =	vadd.f32 v43, v46;
	v32 =	vadd.f32 v42, v40;
	v35 =	vmul.f32 v35, v35;
	v22 =	vld.idx.msk [tilespmem:v48+s26+$0x0], $0xffff  }
0x65: {  	s1 =	sadd.s32 $0x100, s1;
	v33 =	vadd.f32 v33, v49;
	v12 =	vmul.f32 v15, v15;
	v28 =	vld.idx.msk [tilespmem:v45+s26+$0x0], $0xffff;
	[tilespmem:s30+$0x14000] =	vst v37  }
0x66: {  	_ =	sdelay $0x3  }
0x67: {  	v11 =	vld.idx.msk [tilespmem:v29+s26+$0x0], $0xffff  }
0x68: {  	v25 =	vld.idx.msk [tilespmem:v25+s26+$0x0], $0xffff  }
0x69: {  	v18 =	vld.idx.msk [tilespmem:v18+s26+$0x0], $0xffff  }
0x6a: {  	v23 =	vld.idx.msk [tilespmem:v23+s26+$0x0], $0xffff;
	v60 =	vmul.f32 v27, v27  }
0x6b: {  	v21 =	vld.idx.msk [tilespmem:v21+s26+$0x0], $0xffff;
	v29 =	vadd.f32 v34, v35;
	v16 =	vadd.f32 v16, v27  }
0x6c: {  	v30 =	vadd.f32 v36, v30;
	v24 =	vld.idx.msk [tilespmem:v24+s26+$0x0], $0xffff;
	v61 =	vmul.f32 v14, v14;
	v20 =	vadd.f32 v20, v60  }
0x6d: {  	v27 =	vmul.f32 v19, v19;
	v16 =	vadd.f32 v16, v17;
	v62 =	vmul.f32 v22, v22  }
0x6e: {  	[tilespmem:s30+$0x14030] =	vst v31;
	v19 =	vadd.f32 v22, v19;
	v22 =	vmul.f32 v13, v13;
	v20 =	vadd.f32 v20, v29  }
0x6f: {  	[tilespmem:s30+$0x14020] =	vst v32;
	v63 =	vadd.f32 v18, v28;
	v28 =	vmul.f32 v28, v28;
	v15 =	vadd.f32 v15, v25  }
0x70: {  	[tilespmem:s30+$0x144A0] =	vst v26;
	v14 =	vadd.f32 v11, v14;
	v18 =	vmul.f32 v18, v18;
	v31 =	vmul.f32 v21, v21  }
0x71: {  	[tilespmem:s30+$0x14480] =	vst v33;
	v17 =	vadd.f32 v24, v23;
	v11 =	vmul.f32 v11, v11;
	v13 =	vadd.f32 v21, v13  }
0x72: {  	s0 =	sshra.s32 s28, $0x2;
	[tilespmem:s30+$0x144B0] =	vst v30;
	v21 =	vmul.f32 v24, v24;
	v24 =	vadd.f32 v62, v27;
	v22 =	vadd.f32 v31, v22  }
0x73: {  	[tilespmem:s0+$0x14010] =	vst v16;
	v16 =	vmul.f32 v25, v25;
	v18 =	vadd.f32 v18, v28;
	v13 =	vadd.f32 v19, v13  }
0x74: {  	[tilespmem:s0+$0x14490] =	vst v20;
	v19 =	vmul.f32 v23, v23;
	v11 =	vadd.f32 v11, v61;
	v15 =	vadd.f32 v17, v15  }
0x75: {  	v12 =	vadd.f32 v12, v16;
	v14 =	vadd.f32 v14, v63;
	[tilespmem:s0+$0x14000] =	vst v13  }
0x76: {  	v13 =	vadd.f32 v21, v19;
	v16 =	vadd.f32 v24, v22;
	[tilespmem:s0+$0x14030] =	vst v15  }
0x77: {  	v11 =	vadd.f32 v11, v18;
	[tilespmem:s0+$0x14020] =	vst v14  }
0x78: {  	v12 =	vadd.f32 v13, v12;
	[tilespmem:s0+$0x14480] =	vst v16  }
0x79: {  	[tilespmem:s0+$0x144A0] =	vst v11  }
0x7a: {  	[tilespmem:s0+$0x144B0] =	vst v12  }
0x7b: {  	v11 =	vld [tilespmem:s29+$0x10]  }
0x7c: {  	v12 =	vld [tilespmem:s29+$0x11]  }
0x7d: {  	v14 =	vld [tilespmem:s29+$0xFFFFFFE0]  }
0x7e: {  	v15 =	vld [tilespmem:s29+$0xFFFFFFE1]  }
0x7f: {  	v16 =	vld [tilespmem:s29+$0xFFFFFFF0]  }
0x80: {  	v17 =	vld [tilespmem:s29+$0xFFFFFFF1]  }
0x81: {  	v18 =	vld [tilespmem:s29+$0x0]  }
0x82: {  	v19 =	vld [tilespmem:s25+$0x10];
	v13 =	vadd.f32 v12, v11  }
0x83: {  	v12 =	vld [tilespmem:s29+$0x1]  }
0x84: {  	v23 =	vld [tilespmem:s25+$0x11];
	v14 =	vadd.f32 v15, v14;
	(erf) = vrcp.f32 v13  }
0x85: {  	s30 =	simm.s32 $0x30  }
0x86: {  	v21 =	vor.u32 s30, v0;
	v11 =	vadd.f32 v17, v16;
	(erf) = vrcp.f32 v14  }
0x87: {  	v22 =	vmov s26;
	v25 =	vand.u32 $0x7F, v21  }
0x88: {  	s1 =	simm.s32 $0x10;
	v20 =	vld [tilespmem:s25+$0xFFFFFFE1];
	v15 =	vmov s30;
	(erf) = vrcp.f32 v11;
	v12 =	vadd.f32 v12, v18  }
0x89: {  	v16 =	vld [tilespmem:s25+$0xFFFFFFE0];
	v26 =	vadd.f32 v23, v19;
	v23 =	vor.u32 s1, v0;
	v15 =	vshll.u32 v15, $0x3  }
0x8a: {  	s31 =	simm.s32 $0x20;
	v21 =	vld [tilespmem:s25+$0xFFFFFFF1];
	v15 =	vand.u32 $0x1C00, v15;
	v18 =	vmov s1;
	(erf) = vrcp.f32 v12  }
0x8b: {  	v17 =	vld [tilespmem:s25+$0xFFFFFFF0];
	v27 =	vor.u32 v15, v25;
	v24 =	vshll.u32 v18, $0x3;
	v18 =	vmov s31  }
0x8c: {  	v19 =	vld [tilespmem:s25+$0x1];
	vm0 =	vgt.f32 v14, $0.0e+00;
	v25 =	vshll.u32 v18, $0x3;
	v18 =	vor.u32 v10, v27  }
0x8d: {  	v14 =	vor.u32 s26, v0;
	v15 =	vld [tilespmem:s25+$0x0];
	s1 =	simm.s32 $0x14060;
	v27 =	vshll.u32 v22, $0x3;
	v22 =	vor.u32 s31, v0;
	v28 =	vpop (erf)  }
.LBB2_6:
0x8e: {  	v29 =	vld [tilespmem:s1+$0x10];
	v16 =	vadd.f32 v20, v16;
	v20 =	vand.u32 $0x1C00, v24;
	v24 =	vmul.f32 v26, v28  }
0x8f: {  	s24 =	sadd.s32 $0x4, s24;
	v27 =	vand.u32 $0x1C00, v27;
	v25 =	vand.u32 $0x1C00, v25;
	vm1 =	vgt.f32 v13, $0.0e+00;
	v26 =	vld [tilespmem:s1+$0x11];
	v13 =	vpop (erf)  }
0x90: {  	s28 =	simm.s32 $0x143C1;
	p0 =	slt.u32 s24, $0x38;
	v28 =	vld [tilespmem:s1+$0xFFFFFFE0];
	v16 =	vmul.f32 v16, v13;
	v13 =	vadd.f32 v21, v17;
	v24 =	vnsel vm1, $0x0, v24  }
0x91: {  	v14 =	vand.u32 $0x4F, v14;
	v23 =	vand.u32 $0x5F, v23;
	v30 =	vand.u32 $0x6F, v22;
	s29 =	simm.s32 $0x3C0;
	s30 =	simm.s32 $0x14841;
	v21 =	vld [tilespmem:s1+$0xFFFFFFE1];
	[tilespmem:v18+s14+$0x0] =	vst.idx.msk $0xffff, v24;
	v17 =	vpop (erf)  }
0x92: {  	v20 =	vor.u32 v20, v23;
	v18 =	vld [tilespmem:s1+$0xFFFFFFF0];
	v17 =	vmul.f32 v13, v17;
	v15 =	vadd.f32 v19, v15  }
0x93: {  	v14 =	vor.u32 v27, v14;
	vm1 =	vgt.f32 v11, $0.0e+00;
	v11 =	vor.u32 v25, v30;
	v19 =	vld [tilespmem:s1+$0xFFFFFFF1];
	v22 =	vpop (erf)  }
0x94: {  	vm2 =	vgt.f32 v12, $0.0e+00;
	v23 =	vld [tilespmem:s1+$0x0];
	v13 =	vadd.f32 v26, v29;
	v12 =	vmul.f32 v15, v22  }
0x95: {  	v20 =	vor.u32 v10, v20;
	v22 =	vnsel vm0, $0x0, v16;
	v17 =	vnsel vm1, $0x0, v17;
	v15 =	vld [tilespmem:s1+$0x1]  }
0x96: {  	v16 =	vadd.f32 v21, v28;
	(erf) = vrcp.f32 v13;
	v25 =	vnsel vm2, $0x0, v12  }
0x97: {  	s25 =	sadd.s32 $0x40, s25;
	v26 =	vor.u32 v10, v11;
	v21 =	vor.u32 v10, v14  }
0x98: {  	s26 =	sadd.s32 $0x40, s26;
	vm0 =	vgt.f32 v16, $0.0e+00;
	v11 =	vadd.f32 v19, v18;
	v18 =	vld [tilespmem:s25+$0x10];
	(erf) = vrcp.f32 v16  }
0x99: {  	s0 =	sadd.s32 $0x10, s26;
	s6 =	sadd.s32 $0x20, s26;
	s11 =	sadd.s32 $0x30, s26;
	v14 =	vor.u32 s26, v0;
	v19 =	vmov s26;
	v27 =	vld [tilespmem:s25+$0x11]  }
0x9a: {  	v16 =	vld [tilespmem:s25+$0xFFFFFFE0];
	v12 =	vadd.f32 v15, v23;
	v15 =	vmov s11;
	(erf) = vrcp.f32 v11;
	[tilespmem:v20+s14+$0x0] =	vst.idx.msk $0xffff, v17  }
.Ltmp3:
0x9b: {  	v24 =	vor.u32 s11, v0;
	v23 =	vmov s0;
	v20 =	vld [tilespmem:s25+$0xFFFFFFE1];
	v15 =	vshll.u32 v15, $0x3;
	(pc) =	sbr.rel @p0 .LBB2_6-.Ltmp3, $4  }
0x9c: {  	v28 =	vand.u32 $0x7F, v24;
	v17 =	vld [tilespmem:s25+$0xFFFFFFF0];
	v15 =	vand.u32 $0x1C00, v15;
	(erf) = vrcp.f32 v12;
	[tilespmem:v21+s14+$0x0] =	vst.idx.msk $0xffff, v22  }
0x9d: {  	v24 =	vshll.u32 v23, $0x3;
	v22 =	vmov s6;
	v21 =	vld [tilespmem:s25+$0xFFFFFFF1];
	v23 =	vor.u32 v15, v28;
	[tilespmem:v26+s14+$0x0] =	vst.idx.msk $0xffff, v25  }
0x9e: {  	v25 =	vshll.u32 v22, $0x3;
	v15 =	vld [tilespmem:s25+$0x0];
	v26 =	vadd.f32 v27, v18;
	v18 =	vor.u32 v10, v23  }
0x9f: {  	s1 =	sadd.s32 $0x40, s1;
	v22 =	vor.u32 s6, v0;
	v27 =	vshll.u32 v19, $0x3;
	v23 =	vor.u32 s0, v0;
	v19 =	vld [tilespmem:s25+$0x1];
	v28 =	vpop (erf)  }
0xa0: {  	v16 =	vadd.f32 v20, v16;
	v56 =	vand.u32 $0x1C00, v24;
	v57 =	vmul.f32 v26, v28  }
0xa1: {  	v58 =	vand.u32 $0x1C00, v27;
	v25 =	vand.u32 $0x1C00, v25;
	v23 =	vand.u32 $0x5F, v23  }
0xa2: {  	v14 =	vand.u32 $0x4F, v14;
	v22 =	vand.u32 $0x6F, v22;
	v20 =	vor.u32 v56, v23  }
0xa3: {  	v59 =	vpop (erf);
	v14 =	vor.u32 v58, v14;
	v17 =	vadd.f32 v21, v17;
	v20 =	vor.u32 v10, v20  }
0xa4: {  	vm1 =	vgt.f32 v13, $0.0e+00;
	v22 =	vor.u32 v25, v22;
	v14 =	vor.u32 v10, v14;
	v60 =	vpop (erf)  }
0xa5: {  	v61 =	vor.u32 v10, v22;
	v13 =	vmul.f32 v17, v60;
	v15 =	vadd.f32 v19, v15  }
0xa6: {  	vm14 =	vgt.f32 v11, $0.0e+00;
	v16 =	vmul.f32 v16, v59;
	v62 =	vnsel vm1, $0x0, v57;
	v11 =	vpop (erf)  }
0xa7: {  	[tilespmem:v18+s14+$0x0] =	vst.idx.msk $0xffff, v62;
	v11 =	vmul.f32 v15, v11;
	v13 =	vnsel vm14, $0x0, v13  }
0xa8: {  	vm15 =	vgt.f32 v12, $0.0e+00;
	v63 =	vnsel vm0, $0x0, v16;
	[tilespmem:v20+s14+$0x0] =	vst.idx.msk $0xffff, v13  }
0xa9: {  	[tilespmem:v14+s14+$0x0] =	vst.idx.msk $0xffff, v63;
	v11 =	vnsel vm15, $0x0, v11  }
0xaa: {  	[tilespmem:v61+s14+$0x0] =	vst.idx.msk $0xffff, v11  }
.LBB2_8:
0xab: {  	v11 =	vld [tilespmem:s28+$0xFFFFFFFF]  }
0xac: {  	v12 =	vld [tilespmem:s28+$0x0];
	_ =	sdelay $0x4  }
0xad: {  	v11 =	vadd.f32 v12, v11;
	_ =	sdelay $0x1  }
0xae: {  	(erf) = vrcp.f32 v11;
	_ =	sdelay $0x1  }
0xaf: {  	v61 =	vld [tilespmem:s30+$0xFFFFFFFF]  }
0xb0: {  	v13 =	vld [tilespmem:s30+$0x0]  }
0xb1: {  	v14 =	vmov s29  }
0xb2: {  	v14 =	vshll.u32 v14, $0x3  }
0xb3: {  	v15 =	vor.u32 s29, v0;
	v14 =	vand.u32 $0x1C00, v14  }
0xb4: {  	v15 =	vand.u32 $0x7F, v15;
	v14 =	vadd.s32 v10, v14  }
0xb5: {  	p0 =	sne.s32 s29, $0x3E0;
	v62 =	vor.u32 v15, v14;
	v12 =	vadd.f32 v13, v61  }
.Ltmp4:
0xb6: {  	v63 =	vpop (erf);
	(pc) =	sbr.rel @p0 .LBB2_8-.Ltmp4, $4  }
0xb7: {  	v12 =	vmul.f32 v12, v63  }
0xb8: {  	vm0 =	vgt.f32 v11, $0.0e+00  }
0xb9: {  	v11 =	vnsel vm0, $0x0, v12  }
0xba: {  	s30 =	sadd.s32 $0x10, s30;
	s28 =	sadd.s32 $0x10, s28;
	s29 =	sadd.s32 $0x10, s29;
	[tilespmem:v62+s14+$0x0] =	vst.idx.msk $0xffff, v11  }
0xbb: {  	v11 =	vld [tilespmem:$0x143F0]  }
0xbc: {  	v12 =	vld [tilespmem:$0x143F1];
	_ =	sdelay $0x4  }
0xbd: {  	v11 =	vadd.f32 v12, v11;
	_ =	sdelay $0x1  }
0xbe: {  	(erf) = vrcp.f32 v11;
	_ =	sdelay $0x1  }
0xbf: {  	v62 =	vld [tilespmem:$0x14870]  }
0xc0: {  	v13 =	vld [tilespmem:$0x14871];
	_ =	sdelay $0x3  }
0xc1: {  	s23 =	sadd.s32 $0x1, s23  }
0xc2: {  	v10 =	vadd.s32 v9, v10;
	p0 =	sne.s32 s23, $0x8;
	v12 =	vadd.f32 v13, v62  }
.Ltmp5:
0xc3: {  	v63 =	vpop (erf);
	(pc) =	sbr.rel @p0 .LBB2_3-.Ltmp5, $4  }
0xc4: {  	v12 =	vmul.f32 v12, v63  }
0xc5: {  	vm0 =	vgt.f32 v11, $0.0e+00  }
0xc6: {  	v11 =	vnsel vm0, $0x0, v12  }
0xc7: {  	[tilespmem:v10+s14+$0x0] =	vst.idx.msk $0x7fff, v11  }
0xc8: {  	s0 =	sshll.u32 s20, $0xE  }
0xc9: {  	s0 =	sadd.s32 s7, s0  }
0xca: {  	s0 =	sshrl.u32 s0, $0x3  }
0xcb: {  	p0 =	seq.s32 s20, $0xB;
	s0 =	sadd.s32 s4, s0  }
0xcc: {  	[hbm4b:s0+s3] =	stream.linear.scatter [tilespmem:s14], [sflag:$0x3], $0x2000, $0x38;
	[tilespmem:$0x14900] =	vst v63  }
0xcd: {  	s0 =	sadd.s32 @!p0 s21, s8  }
0xce: {  	s0 =	sshll.u32 @!p0 s0, $0x9  }
0xcf: {  	s1 =	simm.s32 @!p0 $0x0;
	s0 =	sadd.s32 @!p0 s2, s0  }
0xd0: {  	[tilespmem:s1], [sflag:$0x1] =	stream.linear.gather @!p0 [hbm4b:s0+s1], $0x8000, $0x38;
	[tilespmem:$0x14900] =	vst v63  }
0xd1: {  	_ =	swait.ge [sflag:s15], $0x8000  }
0xd2: {  	[sflag:s15] =	ssyncset.done $0x0  }
0xd3: {  	s0 =	simm.s32 @!p1 $0x4;
	[sflag:s15] =	ssyncadd.s32 $0xFFFF8000  }
0xd4: {  	_ =	swait.ge @!p1 [sflag:s0], $0x2000  }
0xd5: {  	s22 =	sadd.s32 s21, s9;
	[sflag:s0] =	ssyncset.done @!p1 $0x0  }
0xd6: {  	s23 =	simm.s32 $0x0;
	s24 =	simm.s32 $0x0;
	[sflag:s0] =	ssyncadd.s32 @!p1 $0xFFFFE000  }
.LBB2_11:
0xd7: {  	v10 =	vmov s24;
	v13 =	vmov s23  }
0xd8: {  	v11 =	vshll.u32 v10, $0x7;
	v13 =	vshll.u32 v13, $0x3  }
0xd9: {  	s0 =	simm.s32 $0x40;
	s26 =	simm.s32 $0x80;
	v13 =	vor.u32 v11, v13  }
0xda: {  	v12 =	vmov s0;
	v18 =	vmov s26;
	v13 =	vbroadcast v13, $0x0  }
0xdb: {  	v12 =	vshll.u32 v12, $0x3;
	v18 =	vshll.u32 v18, $0x3  }
0xdc: {  	v12 =	vand.u32 $0x7800, v12;
	v18 =	vor.u32 v11, v18;
	v20 =	vor.u32 v4, v13  }
0xdd: {  	v12 =	vor.u32 v11, v12;
	v18 =	vbroadcast v18, $0x0;
	v21 =	vor.u32 v1, v13  }
0xde: {  	s1 =	simm.s32 $0xC0;
	v12 =	vbroadcast v12, $0x0;
	v19 =	vor.u32 v2, v13;
	v13 =	vor.u32 v3, v13  }
0xdf: {  	v17 =	vmov s1;
	v24 =	vor.u32 v4, v18  }
0xe0: {  	v17 =	vshll.u32 v17, $0x3;
	v14 =	vor.u32 v5, v12  }
0xe1: {  	v17 =	vand.u32 $0x7C00, v17;
	v15 =	vor.u32 v6, v12;
	v20 =	vld.idx.msk [tilespmem:v20+s12+$0x0], $0xffff  }
0xe2: {  	v17 =	vor.u32 v11, v17;
	v16 =	vor.u32 v7, v12;
	v21 =	vld.idx.msk [tilespmem:v21+s12+$0x0], $0xffff  }
0xe3: {  	v17 =	vbroadcast v17, $0x0;
	v12 =	vor.u32 v8, v12;
	v13 =	vld.idx.msk [tilespmem:v13+s12+$0x0], $0xffff  }
0xe4: {  	v24 =	vld.idx.msk [tilespmem:v24+s12+$0x0], $0xffff  }
0xe5: {  	v27 =	vor.u32 v6, v17;
	v14 =	vld.idx.msk [tilespmem:v14+s12+$0x0], $0xffff  }
0xe6: {  	v15 =	vld.idx.msk [tilespmem:v15+s12+$0x0], $0xffff  }
0xe7: {  	v16 =	vld.idx.msk [tilespmem:v16+s12+$0x0], $0xffff  }
0xe8: {  	v12 =	vld.idx.msk [tilespmem:v12+s12+$0x0], $0xffff  }
0xe9: {  	v28 =	vor.u32 v7, v17  }
0xea: {  	v22 =	vor.u32 v1, v18;
	v23 =	vor.u32 v2, v18;
	v27 =	vld.idx.msk [tilespmem:v27+s12+$0x0], $0xffff;
	v32 =	vmul.f32 v21, v21  }
0xeb: {  	v25 =	vor.u32 v5, v17;
	v19 =	vld.idx.msk [tilespmem:v19+s12+$0x0], $0xffff;
	v33 =	vmul.f32 v13, v13;
	v39 =	vmul.f32 v24, v24  }
0xec: {  	v13 =	vadd.f32 v20, v13;
	v26 =	vmul.f32 v14, v14;
	v29 =	vmul.f32 v15, v15  }
0xed: {  	v30 =	vmul.f32 v16, v16;
	v31 =	vmul.f32 v12, v12;
	v14 =	vadd.f32 v15, v14  }
0xee: {  	v28 =	vld.idx.msk [tilespmem:v28+s12+$0x0], $0xffff;
	v12 =	vadd.f32 v12, v16;
	v15 =	vor.u32 v8, v17;
	v16 =	vor.u32 v3, v18  }
0xef: {  	s29 =	simm.s32 $0x100;
	v18 =	vld.idx.msk [tilespmem:v23+s12+$0x0], $0xffff;
	v35 =	vmul.f32 v27, v27;
	v17 =	vadd.f32 v29, v26;
	v23 =	vadd.f32 v31, v30  }
0xf0: {  	s30 =	simm.s32 $0x140;
	s6 =	simm.s32 $0x1C0;
	v26 =	vmul.f32 v19, v19;
	v14 =	vadd.f32 v12, v14;
	v12 =	vmov s29  }
0xf1: {  	s31 =	simm.s32 $0x180;
	v22 =	vld.idx.msk [tilespmem:v22+s12+$0x0], $0xffff;
	v29 =	vmov s30;
	v30 =	vmov s6;
	v31 =	vmul.f32 v20, v20  }
0xf2: {  	v20 =	vmov s31;
	v19 =	vadd.f32 v19, v21;
	v29 =	vshll.u32 v29, $0x3  }
0xf3: {  	v25 =	vld.idx.msk [tilespmem:v25+s12+$0x0], $0xffff;
	v21 =	vmul.f32 v28, v28;
	v30 =	vshll.u32 v30, $0x3;
	v29 =	vand.u32 $0x7800, v29  }
0xf4: {  	v12 =	vshll.u32 v12, $0x3;
	v20 =	vshll.u32 v20, $0x3;
	v29 =	vor.u32 v11, v29  }
0xf5: {  	v30 =	vand.u32 $0x7C00, v30;
	v38 =	vadd.f32 v26, v32;
	v29 =	vbroadcast v29, $0x0  }
0xf6: {  	v17 =	vadd.f32 v23, v17;
	v23 =	vmul.f32 v22, v22;
	v12 =	vor.u32 v11, v12  }
0xf7: {  	v13 =	vadd.f32 v13, v19;
	v33 =	vadd.f32 v31, v33;
	v36 =	vor.u32 v5, v29  }
0xf8: {  	s25 =	simm.s32 $0x0;
	v31 =	vadd.f32 v27, v25;
	v30 =	vor.u32 v11, v30;
	v37 =	vor.u32 v6, v29  }
0xf9: {  	[tilespmem:s25+$0x14010] =	vst v14;
	v15 =	vld.idx.msk [tilespmem:v15+s12+$0x0], $0xffff;
	v59 =	vbroadcast v12, $0x0;
	v26 =	vor.u32 v8, v29;
	v29 =	vor.u32 v7, v29  }
0xfa: {  	v34 =	vmul.f32 v18, v18;
	v40 =	vld.idx.msk [tilespmem:v16+s12+$0x0], $0xffff;
	v12 =	vadd.f32 v18, v22;
	v18 =	vor.u32 v11, v20  }
0xfb: {  	v16 =	vmul.f32 v25, v25;
	v42 =	vbroadcast v18, $0x0;
	[tilespmem:s25+$0x14490] =	vst v17;
	v19 =	vor.u32 v2, v59  }
0xfc: {  	v30 =	vbroadcast v30, $0x0;
	[tilespmem:s25+$0x14000] =	vst v13;
	v33 =	vadd.f32 v33, v38;
	v22 =	vor.u32 v4, v59;
	v36 =	vld.idx.msk [tilespmem:v36+s12+$0x0], $0xffff  }
0xfd: {  	v41 =	vor.u32 v3, v59;
	v25 =	vadd.f32 v35, v16;
	v20 =	vor.u32 v1, v42;
	v37 =	vld.idx.msk [tilespmem:v37+s12+$0x0], $0xffff  }
0xfe: {  	v44 =	vor.u32 v2, v42;
	v13 =	vor.u32 v4, v42;
	v17 =	vld.idx.msk [tilespmem:v29+s12+$0x0], $0xffff;
	v29 =	vor.u32 v1, v59  }
0xff: {  	v45 =	vor.u32 v5, v30;
	v43 =	vmul.f32 v15, v15;
	v18 =	vadd.f32 v24, v40;
	v24 =	vld.idx.msk [tilespmem:v26+s12+$0x0], $0xffff  }
0x100: {  	v27 =	vor.u32 v7, v30;
	v32 =	vor.u32 v6, v30;
	v15 =	vadd.f32 v15, v28;
	v14 =	vld.idx.msk [tilespmem:v19+s12+$0x0], $0xffff  }
0x101: {  	v10 =	vbroadcast v11, $0x0;
	[tilespmem:s25+$0x14480] =	vst v33;
	v63 =	vmul.f32 v40, v40;
	v28 =	vadd.f32 v43, v21;
	v19 =	vld.idx.msk [tilespmem:v22+s12+$0x0], $0xffff  }
0x102: {  	v22 =	vor.u32 v8, v30;
	v31 =	vadd.f32 v15, v31;
	v30 =	vld.idx.msk [tilespmem:v41+s12+$0x0], $0xffff;
	v60 =	vmul.f32 v36, v36  }
0x103: {  	v26 =	vadd.f32 v34, v23;
	v61 =	vmul.f32 v37, v37;
	v16 =	vld.idx.msk [tilespmem:v29+s12+$0x0], $0xffff;
	v29 =	vmul.f32 v17, v17  }
0x104: {  	v15 =	vld.idx.msk [tilespmem:v44+s12+$0x0], $0xffff;
	v62 =	vmul.f32 v24, v24;
	v36 =	vadd.f32 v37, v36;
	v17 =	vadd.f32 v24, v17  }
0x105: {  	v21 =	vor.u32 v3, v42;
	v13 =	vld.idx.msk [tilespmem:v13+s12+$0x0], $0xffff;
	v34 =	vadd.f32 v39, v63;
	v23 =	vadd.f32 v61, v60  }
0x106: {  	s28 =	simm.s32 $0x4;
	s26 =	simm.s32 $0x40;
	s1 =	simm.s32 $0x200;
	v24 =	vadd.f32 v62, v29;
	v29 =	vmul.f32 v14, v14;
	v33 =	vadd.f32 v17, v36;
	v17 =	vld.idx.msk [tilespmem:v45+s12+$0x0], $0xffff  }
.LBB2_12:
0x107: {  	v35 =	vmov s1;
	s0 =	sadd.s32 $0x40, s1;
	s6 =	sadd.s32 $0x80, s1;
	s11 =	sadd.s32 $0xC0, s1;
	v36 =	vmul.f32 v19, v19;
	v32 =	vld.idx.msk [tilespmem:v32+s12+$0x0], $0xffff;
	[tilespmem:s25+$0x14030] =	vst v31;
	v25 =	vadd.f32 v28, v25  }
0x108: {  	s29 =	sshra.s32 s1, $0x2;
	s28 =	sadd.s32 $0x4, s28;
	v12 =	vadd.f32 v18, v12;
	v28 =	vmov s0;
	v31 =	vmov s11;
	[tilespmem:s26+$0x14010] =	vst v33;
	v27 =	vld.idx.msk [tilespmem:v27+s12+$0x0], $0xffff  }
0x109: {  	p1 =	slt.u32 s28, $0x3C;
	v26 =	vadd.f32 v34, v26;
	v18 =	vshll.u32 v28, $0x3;
	v28 =	vshll.u32 v31, $0x3;
	v20 =	vld.idx.msk [tilespmem:v20+s12+$0x0], $0xffff;
	[tilespmem:s25+$0x144B0] =	vst v25  }
0x10a: {  	v18 =	vand.u32 $0x7800, v18;
	v25 =	vand.u32 $0x7C00, v28;
	v28 =	vmul.f32 v16, v16;
	v22 =	vld.idx.msk [tilespmem:v22+s12+$0x0], $0xffff;
	[tilespmem:s25+$0x14020] =	vst v12  }
0x10b: {  	v12 =	vor.u32 v11, v18;
	v18 =	vor.u32 v11, v25;
	v25 =	vmul.f32 v30, v30;
	[tilespmem:s25+$0x144A0] =	vst v26;
	s25 =	smov.u32 s26;
	s26 =	smov.u32 s29  }
0x10c: {  	v19 =	vadd.f32 v19, v30;
	v12 =	vbroadcast v12, $0x0;
	v30 =	vld.idx.msk [tilespmem:v21+s12+$0x0], $0xffff;
	v21 =	vmul.f32 v15, v15  }
0x10d: {  	v31 =	vmov s6;
	v26 =	vshll.u32 v35, $0x3;
	v33 =	vmul.f32 v32, v32  }
0x10e: {  	v29 =	vadd.f32 v29, v28;
	v34 =	vor.u32 v5, v12;
	v35 =	vor.u32 v6, v12  }
0x10f: {  	v23 =	vadd.f32 v24, v23;
	v28 =	vor.u32 v8, v12;
	v24 =	vmul.f32 v20, v20  }
0x110: {  	v14 =	vadd.f32 v14, v16;
	v38 =	vmul.f32 v13, v13;
	v37 =	vor.u32 v7, v12  }
0x111: {  	v16 =	vmul.f32 v17, v17;
	v12 =	vor.u32 v11, v26;
	[tilespmem:s25+$0x14490] =	vst v23;
	v23 =	vmul.f32 v27, v27  }
0x112: {  	v31 =	vshll.u32 v31, $0x3;
	v26 =	vbroadcast v12, $0x0;
	v12 =	vadd.f32 v15, v20  }
0x113: {  	v14 =	vadd.f32 v19, v14;
	v36 =	vadd.f32 v36, v25;
	v15 =	vor.u32 v11, v31;
	v34 =	vld.idx.msk [tilespmem:v34+s12+$0x0], $0xffff  }
0x114: {  	v17 =	vadd.f32 v32, v17;
	v19 =	vor.u32 v2, v26;
	v31 =	vor.u32 v4, v26;
	v35 =	vld.idx.msk [tilespmem:v35+s12+$0x0], $0xffff  }
0x115: {  	v32 =	vmul.f32 v22, v22;
	v15 =	vbroadcast v15, $0x0;
	v39 =	vor.u32 v3, v26;
	v37 =	vld.idx.msk [tilespmem:v37+s12+$0x0], $0xffff;
	[tilespmem:s25+$0x14000] =	vst v14  }
0x116: {  	v42 =	vbroadcast v18, $0x0;
	v40 =	vor.u32 v1, v26;
	v18 =	vadd.f32 v13, v30;
	v41 =	vld.idx.msk [tilespmem:v28+s12+$0x0], $0xffff  }
0x117: {  	v43 =	vadd.f32 v22, v27;
	v20 =	vor.u32 v1, v15;
	v13 =	vor.u32 v2, v15  }
0x118: {  	v45 =	vor.u32 v5, v42;
	v25 =	vadd.f32 v33, v16;
	v44 =	vor.u32 v4, v15  }
0x119: {  	v27 =	vor.u32 v7, v42;
	v28 =	vadd.f32 v32, v23;
	v33 =	vmul.f32 v34, v34;
	v14 =	vld.idx.msk [tilespmem:v19+s12+$0x0], $0xffff  }
0x11a: {  	v22 =	vor.u32 v8, v42;
	v26 =	vadd.f32 v21, v24;
	v23 =	vmul.f32 v35, v35;
	v19 =	vld.idx.msk [tilespmem:v31+s12+$0x0], $0xffff  }
.Ltmp6:
0x11b: {  	v21 =	vor.u32 v3, v15;
	v32 =	vor.u32 v6, v42;
	v31 =	vadd.f32 v43, v17;
	v16 =	vld.idx.msk [tilespmem:v40+s12+$0x0], $0xffff;
	(pc) =	sbr.rel @p1 .LBB2_12-.Ltmp6, $4  }
0x11c: {  	v29 =	vadd.f32 v36, v29;
	v17 =	vmul.f32 v37, v37;
	v24 =	vmul.f32 v41, v41;
	v15 =	vld.idx.msk [tilespmem:v13+s12+$0x0], $0xffff  }
0x11d: {  	v36 =	vmul.f32 v30, v30;
	v34 =	vadd.f32 v35, v34;
	v35 =	vadd.f32 v41, v37;
	v13 =	vld.idx.msk [tilespmem:v44+s12+$0x0], $0xffff  }
0x11e: {  	v23 =	vadd.f32 v23, v33;
	v24 =	vadd.f32 v24, v17;
	v30 =	vld.idx.msk [tilespmem:v39+s12+$0x0], $0xffff;
	[tilespmem:s25+$0x14480] =	vst v29  }
0x11f: {  	s1 =	sadd.s32 $0x100, s1;
	v33 =	vadd.f32 v35, v34;
	v34 =	vadd.f32 v38, v36;
	v29 =	vmul.f32 v14, v14;
	v17 =	vld.idx.msk [tilespmem:v45+s12+$0x0], $0xffff  }
0x120: {  	_ =	sdelay $0x3  }
0x121: {  	v11 =	vld.idx.msk [tilespmem:v32+s12+$0x0], $0xffff  }
0x122: {  	v27 =	vld.idx.msk [tilespmem:v27+s12+$0x0], $0xffff  }
0x123: {  	v20 =	vld.idx.msk [tilespmem:v20+s12+$0x0], $0xffff  }
0x124: {  	v25 =	vadd.f32 v28, v25;
	v28 =	vmul.f32 v16, v16;
	v22 =	vld.idx.msk [tilespmem:v22+s12+$0x0], $0xffff;
	v12 =	vadd.f32 v18, v12  }
0x125: {  	v63 =	vmul.f32 v19, v19;
	v21 =	vld.idx.msk [tilespmem:v21+s12+$0x0], $0xffff;
	v23 =	vadd.f32 v24, v23;
	v14 =	vadd.f32 v14, v16  }
0x126: {  	v18 =	vadd.f32 v34, v26;
	v28 =	vadd.f32 v29, v28;
	v26 =	vmul.f32 v30, v30  }
0x127: {  	[tilespmem:s25+$0x14030] =	vst v31;
	v19 =	vadd.f32 v19, v30;
	v30 =	vmul.f32 v15, v15;
	v24 =	vmul.f32 v17, v17  }
0x128: {  	[tilespmem:s26+$0x14010] =	vst v33;
	v29 =	vmul.f32 v11, v11;
	v16 =	vmul.f32 v20, v20;
	v15 =	vadd.f32 v15, v20  }
0x129: {  	[tilespmem:s25+$0x144B0] =	vst v25;
	v20 =	vmul.f32 v27, v27;
	v14 =	vadd.f32 v19, v14;
	v19 =	vadd.f32 v63, v26  }
0x12a: {  	[tilespmem:s25+$0x14020] =	vst v12;
	v11 =	vadd.f32 v11, v17;
	v12 =	vmul.f32 v22, v22;
	v17 =	vadd.f32 v13, v21  }
0x12b: {  	[tilespmem:s25+$0x144A0] =	vst v18;
	v13 =	vmul.f32 v13, v13;
	v18 =	vadd.f32 v22, v27;
	v22 =	vadd.f32 v29, v24  }
0x12c: {  	[tilespmem:s26+$0x14490] =	vst v23;
	v12 =	vadd.f32 v12, v20;
	v19 =	vadd.f32 v19, v28;
	v20 =	vmul.f32 v21, v21  }
0x12d: {  	[tilespmem:s26+$0x14000] =	vst v14;
	v14 =	vadd.f32 v30, v16;
	v11 =	vadd.f32 v18, v11  }
0x12e: {  	[tilespmem:s26+$0x14480] =	vst v19;
	v13 =	vadd.f32 v13, v20;
	v12 =	vadd.f32 v12, v22  }
0x12f: {  	[tilespmem:s26+$0x14030] =	vst v11;
	v11 =	vadd.f32 v17, v15  }
0x130: {  	v13 =	vadd.f32 v13, v14;
	[tilespmem:s26+$0x144B0] =	vst v12  }
0x131: {  	[tilespmem:s26+$0x14020] =	vst v11  }
0x132: {  	s1 =	simm.s32 $0x14020;
	[tilespmem:s26+$0x144A0] =	vst v13  }
0x133: {  	v12 =	vld [tilespmem:s1+$0x10]  }
0x134: {  	v13 =	vld [tilespmem:s1+$0x11]  }
0x135: {  	v14 =	vld [tilespmem:s1+$0xFFFFFFE0]  }
0x136: {  	v15 =	vld [tilespmem:s1+$0xFFFFFFE1]  }
0x137: {  	v16 =	vld [tilespmem:s1+$0xFFFFFFF0]  }
0x138: {  	v17 =	vld [tilespmem:s1+$0xFFFFFFF1]  }
0x139: {  	v18 =	vld [tilespmem:s1+$0x0];
	v13 =	vadd.f32 v13, v12  }
0x13a: {  	v19 =	vld [tilespmem:s1+$0x1]  }
0x13b: {  	v14 =	vadd.f32 v15, v14;
	(erf) = vrcp.f32 v13  }
0x13c: {  	s0 =	simm.s32 $0x30;
	s26 =	simm.s32 $0x144A0  }
0x13d: {  	s25 =	simm.s32 $0x0;
	v21 =	vor.u32 s0, v0;
	v22 =	vld [tilespmem:s26+$0x10];
	v12 =	vadd.f32 v17, v16;
	(erf) = vrcp.f32 v14  }
0x13e: {  	v23 =	vmov s25;
	v26 =	vand.u32 $0x7F, v21;
	v24 =	vld [tilespmem:s26+$0x11];
	v16 =	vmov s0  }
0x13f: {  	v20 =	vld [tilespmem:s26+$0xFFFFFFE1];
	vm0 =	vgt.f32 v14, $0.0e+00;
	v14 =	vadd.f32 v19, v18;
	(erf) = vrcp.f32 v12  }
0x140: {  	s6 =	simm.s32 $0x10;
	v11 =	vor.u32 $0x2000, v10;
	v15 =	vor.u32 s25, v0;
	v17 =	vld [tilespmem:s26+$0xFFFFFFE0];
	v16 =	vshll.u32 v16, $0x3  }
0x141: {  	s31 =	simm.s32 $0x20;
	v21 =	vld [tilespmem:s26+$0xFFFFFFF1];
	v16 =	vand.u32 $0x1C00, v16;
	v19 =	vmov s6;
	(erf) = vrcp.f32 v14  }
0x142: {  	v18 =	vld [tilespmem:s26+$0xFFFFFFF0];
	v28 =	vor.u32 v26, v16;
	v25 =	vshll.u32 v19, $0x3;
	v19 =	vmov s31  }
0x143: {  	v27 =	vadd.f32 v24, v22;
	v22 =	vld [tilespmem:s26+$0x1];
	v26 =	vshll.u32 v19, $0x3;
	v19 =	vor.u32 v11, v28  }
0x144: {  	s28 =	simm.s32 $0x14060;
	s1 =	simm.s32 $0x0;
	v24 =	vor.u32 s6, v0;
	v16 =	vld [tilespmem:s26+$0x0];
	v28 =	vshll.u32 v23, $0x3;
	v23 =	vor.u32 s31, v0;
	v29 =	vpop (erf)  }
.LBB2_14:
0x145: {  	v30 =	vld [tilespmem:s28+$0x10];
	v17 =	vadd.f32 v20, v17;
	v20 =	vand.u32 $0x1C00, v25;
	v25 =	vmul.f32 v27, v29  }
0x146: {  	s1 =	sadd.s32 $0x4, s1;
	v28 =	vand.u32 $0x1C00, v28;
	v26 =	vand.u32 $0x1C00, v26;
	vm1 =	vgt.f32 v13, $0.0e+00;
	v27 =	vld [tilespmem:s28+$0x11];
	v13 =	vpop (erf)  }
0x147: {  	p1 =	slt.u32 s1, $0x38;
	v29 =	vld [tilespmem:s28+$0xFFFFFFE0];
	v17 =	vmul.f32 v17, v13;
	v13 =	vadd.f32 v21, v18;
	v25 =	vnsel vm1, $0x0, v25  }
0x148: {  	v15 =	vand.u32 $0x4F, v15;
	v24 =	vand.u32 $0x5F, v24;
	v31 =	vand.u32 $0x6F, v23;
	v21 =	vld [tilespmem:s28+$0xFFFFFFE1];
	[tilespmem:v19+s14+$0x0] =	vst.idx.msk $0xffff, v25;
	v18 =	vpop (erf)  }
0x149: {  	v20 =	vor.u32 v24, v20;
	v19 =	vld [tilespmem:s28+$0xFFFFFFF0];
	v18 =	vmul.f32 v13, v18;
	v16 =	vadd.f32 v22, v16  }
0x14a: {  	v15 =	vor.u32 v15, v28;
	vm1 =	vgt.f32 v12, $0.0e+00;
	v12 =	vor.u32 v31, v26;
	v22 =	vld [tilespmem:s28+$0xFFFFFFF1];
	v23 =	vpop (erf)  }
0x14b: {  	vm2 =	vgt.f32 v14, $0.0e+00;
	v24 =	vld [tilespmem:s28+$0x0];
	v13 =	vadd.f32 v27, v30;
	v14 =	vmul.f32 v16, v23  }
0x14c: {  	v20 =	vor.u32 v11, v20;
	v23 =	vnsel vm0, $0x0, v17;
	v18 =	vnsel vm1, $0x0, v18;
	v16 =	vld [tilespmem:s28+$0x1]  }
0x14d: {  	v17 =	vadd.f32 v21, v29;
	(erf) = vrcp.f32 v13;
	v26 =	vnsel vm2, $0x0, v14  }
0x14e: {  	s26 =	sadd.s32 $0x40, s26;
	v27 =	vor.u32 v11, v12;
	v21 =	vor.u32 v11, v15  }
0x14f: {  	s25 =	sadd.s32 $0x40, s25;
	vm0 =	vgt.f32 v17, $0.0e+00;
	v12 =	vadd.f32 v22, v19;
	v19 =	vld [tilespmem:s26+$0x10];
	(erf) = vrcp.f32 v17  }
0x150: {  	s0 =	sadd.s32 $0x10, s25;
	s6 =	sadd.s32 $0x20, s25;
	s11 =	sadd.s32 $0x30, s25;
	v15 =	vor.u32 s25, v0;
	v22 =	vmov s25;
	v28 =	vld [tilespmem:s26+$0x11]  }
0x151: {  	v17 =	vld [tilespmem:s26+$0xFFFFFFE0];
	v14 =	vadd.f32 v16, v24;
	v16 =	vmov s11;
	(erf) = vrcp.f32 v12;
	[tilespmem:v20+s14+$0x0] =	vst.idx.msk $0xffff, v18  }
.Ltmp7:
0x152: {  	v25 =	vor.u32 s11, v0;
	v24 =	vmov s0;
	v20 =	vld [tilespmem:s26+$0xFFFFFFE1];
	v16 =	vshll.u32 v16, $0x3;
	(pc) =	sbr.rel @p1 .LBB2_14-.Ltmp7, $4  }
0x153: {  	v29 =	vand.u32 $0x7F, v25;
	v18 =	vld [tilespmem:s26+$0xFFFFFFF0];
	v16 =	vand.u32 $0x1C00, v16;
	(erf) = vrcp.f32 v14;
	[tilespmem:v21+s14+$0x0] =	vst.idx.msk $0xffff, v23  }
0x154: {  	v25 =	vshll.u32 v24, $0x3;
	v23 =	vmov s6;
	v21 =	vld [tilespmem:s26+$0xFFFFFFF1];
	v24 =	vor.u32 v29, v16;
	[tilespmem:v27+s14+$0x0] =	vst.idx.msk $0xffff, v26  }
0x155: {  	v26 =	vshll.u32 v23, $0x3;
	v16 =	vld [tilespmem:s26+$0x0];
	v27 =	vadd.f32 v28, v19;
	v19 =	vor.u32 v11, v24  }
0x156: {  	s28 =	sadd.s32 $0x40, s28;
	v23 =	vor.u32 s6, v0;
	v28 =	vshll.u32 v22, $0x3;
	v24 =	vor.u32 s0, v0;
	v22 =	vld [tilespmem:s26+$0x1];
	v29 =	vpop (erf)  }
0x157: {  	v17 =	vadd.f32 v20, v17;
	v56 =	vand.u32 $0x1C00, v25;
	v57 =	vmul.f32 v27, v29  }
0x158: {  	v58 =	vand.u32 $0x1C00, v28;
	v26 =	vand.u32 $0x1C00, v26;
	v24 =	vand.u32 $0x5F, v24  }
0x159: {  	v15 =	vand.u32 $0x4F, v15;
	v23 =	vand.u32 $0x6F, v23;
	v20 =	vor.u32 v24, v56  }
0x15a: {  	v59 =	vpop (erf);
	v15 =	vor.u32 v15, v58;
	v18 =	vadd.f32 v21, v18;
	v20 =	vor.u32 v11, v20  }
0x15b: {  	vm1 =	vgt.f32 v13, $0.0e+00;
	v23 =	vor.u32 v23, v26;
	v15 =	vor.u32 v11, v15;
	v60 =	vpop (erf)  }
0x15c: {  	v11 =	vor.u32 v11, v23;
	v13 =	vmul.f32 v18, v60;
	v16 =	vadd.f32 v22, v16  }
0x15d: {  	vm14 =	vgt.f32 v12, $0.0e+00;
	v17 =	vmul.f32 v17, v59;
	v61 =	vnsel vm1, $0x0, v57;
	v62 =	vpop (erf)  }
0x15e: {  	[tilespmem:v19+s14+$0x0] =	vst.idx.msk $0xffff, v61;
	v12 =	vmul.f32 v16, v62;
	v13 =	vnsel vm14, $0x0, v13  }
0x15f: {  	vm15 =	vgt.f32 v14, $0.0e+00;
	v63 =	vnsel vm0, $0x0, v17;
	[tilespmem:v20+s14+$0x0] =	vst.idx.msk $0xffff, v13  }
0x160: {  	[tilespmem:v15+s14+$0x0] =	vst.idx.msk $0xffff, v63;
	v12 =	vnsel vm15, $0x0, v12  }
0x161: {  	s1 =	simm.s32 $0x143C1;
	s25 =	simm.s32 $0x3C0;
	s26 =	simm.s32 $0x14841;
	[tilespmem:v11+s14+$0x0] =	vst.idx.msk $0xffff, v12  }
.LBB2_16:
0x162: {  	v11 =	vld [tilespmem:s1+$0xFFFFFFFF]  }
0x163: {  	v12 =	vld [tilespmem:s1+$0x0];
	_ =	sdelay $0x4  }
0x164: {  	v11 =	vadd.f32 v12, v11;
	_ =	sdelay $0x1  }
0x165: {  	(erf) = vrcp.f32 v11;
	_ =	sdelay $0x1  }
0x166: {  	v62 =	vld [tilespmem:s26+$0xFFFFFFFF]  }
0x167: {  	v13 =	vmov s25;
	v14 =	vld [tilespmem:s26+$0x0]  }
0x168: {  	v13 =	vshll.u32 v13, $0x3  }
0x169: {  	v15 =	vor.u32 s25, v0;
	v13 =	vand.u32 $0x1C00, v13  }
0x16a: {  	v15 =	vand.u32 $0x7F, v15;
	v13 =	vadd.s32 v13, v10  }
0x16b: {  	v13 =	vadd.s32 v15, v13  }
0x16c: {  	p1 =	sne.s32 s25, $0x3E0;
	v12 =	vadd.f32 v14, v62;
	v13 =	vadd.s32 $0x2000, v13  }
.Ltmp8:
0x16d: {  	v63 =	vpop (erf);
	(pc) =	sbr.rel @p1 .LBB2_16-.Ltmp8, $4  }
0x16e: {  	v12 =	vmul.f32 v12, v63  }
0x16f: {  	vm0 =	vgt.f32 v11, $0.0e+00  }
0x170: {  	v11 =	vnsel vm0, $0x0, v12  }
0x171: {  	s26 =	sadd.s32 $0x10, s26;
	s1 =	sadd.s32 $0x10, s1;
	s25 =	sadd.s32 $0x10, s25;
	[tilespmem:v13+s14+$0x0] =	vst.idx.msk $0xffff, v11  }
0x172: {  	v11 =	vld [tilespmem:$0x143F0]  }
0x173: {  	v12 =	vld [tilespmem:$0x143F1];
	_ =	sdelay $0x4  }
0x174: {  	v11 =	vadd.f32 v12, v11;
	_ =	sdelay $0x1  }
0x175: {  	(erf) = vrcp.f32 v11;
	_ =	sdelay $0x1  }
0x176: {  	v62 =	vld [tilespmem:$0x14870]  }
0x177: {  	v13 =	vld [tilespmem:$0x14871];
	_ =	sdelay $0x3  }
0x178: {  	v14 =	vor.u32 $0x3C70, v0;
	s24 =	sadd.s32 $0x1, s24  }
0x179: {  	v10 =	vadd.s32 v14, v10;
	p1 =	sne.s32 s24, $0x8;
	v12 =	vadd.f32 v13, v62  }
.Ltmp9:
0x17a: {  	v63 =	vpop (erf);
	(pc) =	sbr.rel @p1 .LBB2_11-.Ltmp9, $4  }
0x17b: {  	v12 =	vmul.f32 v12, v63  }
0x17c: {  	vm0 =	vgt.f32 v11, $0.0e+00  }
0x17d: {  	v11 =	vnsel vm0, $0x0, v12  }
0x17e: {  	[tilespmem:v10+s14+$0x0] =	vst.idx.msk $0x7fff, v11  }
.Ltmp10:
0x17f: {  	(pc) =	sbr.rel @p0 .LBB2_20-.Ltmp10, $4  }
0x180: {  	_ = 	snop  }
0x181: {  	s0 =	sshll.u32 s22, $0x7  }
0x182: {  	s0 =	sadd.s32 s4, s0  }
0x183: {  	[hbm4b:s0+s3] =	stream.linear.scatter [tilespmem:s16], [sflag:$0x4], $0x2000, $0x38;
	[tilespmem:$0x14900] =	vst v63  }
.Ltmp11:
0x184: {  	(pc) =	sbr.rel .LBB2_2-.Ltmp11, $4  }
0x185: {  	s0 =	sadd.s32 s21, s10  }
0x186: {  	s0 =	sshll.u32 s0, $0x9  }
0x187: {  	s20 =	sadd.s32 $0x1, s20;
	s0 =	sadd.s32 s2, s0  }
0x188: {  	[tilespmem:s12], [sflag:$0x2] =	stream.linear.gather [hbm4b:s0+s3], $0x8000, $0x38;
	[tilespmem:$0x14900] =	vst v63  }
.LBB2_21:
0x189: {  	_ =	sfence.sel $0x180000  }
0x18a: {  	[bflag:$0x0] =	sbarrier.arrive $0xFFFF  }
0x18b: {  	_ =	strace $0x90000047  }
0x18c: {  	s0 =	stileid.u32;
	[bflag:$0x2] =	sbarrier.arrive $0xFFFF  }
0x18d: {  	p0 =	sne.s32 s0, $0x0;
	s0 =	rddreg [dreg:$0x2]  }
0x18e: {  	s0 =	sadd.s32 @!p0 $0x100000, s0  }
0x18f: {  	[sflag:s0] =	ssyncadd.tile.s32 @!p0 $0x1;
	_ =	shalt  }
.Lfunc_end2:
_tile_overlayer_lowered:
.L_overlay_start_2:
0x190: {  	(tag) =	ssettag $0x2  }
0x191: {  	s0 =	rddreg [dreg:$0x0];
	s2 =	stileid.u32  }
0x192: {  	s1 =	rddreg [dreg:$0x1];
	p0 =	sne.s32 s2, $0x0  }
0x193: {  	s3 =	rddreg [dreg:$0x2];
	[bflag:$0x3] =	sbarrier.arrive $0xFFFF;
	s2 =	simm.s32 @!p0 $0x1C05  }
0x194: {  	[timem:s3], [sflag:s2] =	dma.local @!p0 [hbm:s0], s1  }
0x195: {  	s0 =	simm.s32 @!p0 $0x5  }
0x196: {  	_ =	swait.ge @!p0 [sflag:s0], s1  }
0x197: {  	s1 =	ssub.s32 @!p0 $0x0, s1;
	[sflag:s0] =	ssyncset.done @!p0 $0x0  }
0x198: {  	[sflag:s0] =	ssyncadd.s32 @!p0 s1  }
0x199: {  	[bflag:$0x3] =	sbarrier.arrive $0xFFFF  }
0x19a: {  	_ =	shalt  }

</sc_bundles>
